<compile_context>
chip_gen: v7x
topology: tpu7x:2x2x1
jax: 0.10.2.dev20260603
libtpu: 0.0.44.dev20260713+nightly
codegen_flags: <defaults>
</compile_context>

<pallas_src>
import functools

import jax
import jax.numpy as jnp
from jax import lax
from jax.experimental import pallas as pl
from jax.experimental.pallas import tpu as pltpu
from jax.experimental.pallas import tpu_sc as plsc

NC = 2
NS = 16
NW = NC * NS

EMB = 64
VOCAB = 1000000
VB = 16384

BGRP = 4
NBUF = 4

_mesh = plsc.VectorSubcoreMesh(core_axis_name="c", subcore_axis_name="s")
_params = pltpu.CompilerParams(use_tc_tiling_on_sc=True)


def _fat_block(tabt_ref, fat_ref):
    fat_ref[:, 0:EMB] = tabt_ref[...].T


def _build_fat(tabt):
    grid = pl.cdiv(VOCAB, VB)
    return pl.pallas_call(
        _fat_block,
        grid=(grid,),
        in_specs=[pl.BlockSpec((EMB, VB), lambda i: (0, i))],
        out_specs=pl.BlockSpec((VB, 128), lambda i: (i, 0)),
        out_shape=jax.ShapeDtypeStruct((VOCAB, 128), jnp.float32),
    )(tabt)


def _make_gather(B: int, L: int):
    b_per_w = B // NW
    chunk = BGRP * L
    n_chunks = b_per_w // BGRP
    n_super = n_chunks // NBUF

    @functools.partial(
        pl.kernel,
        mesh=_mesh,
        compiler_params=_params,
        out_type=jax.ShapeDtypeStruct((B, L, 128), jnp.float32),
        scratch_types=[
            pltpu.VMEM((b_per_w * L,), jnp.int32),
            [pltpu.VMEM((chunk, 128), jnp.float32) for _ in range(NBUF)],
            [pltpu.SemaphoreType.DMA for _ in range(NBUF)],
            [pltpu.SemaphoreType.DMA for _ in range(NBUF)],
        ],
    )
    def lookup(x_hbm, table_hbm, out_hbm, idx_v, rows, gsem, wsem):
        wid = lax.axis_index("s") * NC + lax.axis_index("c")
        base_b = wid * b_per_w
        pltpu.sync_copy(x_hbm.at[wid], idx_v)

        def gather(j, b):
            pltpu.async_copy(
                table_hbm.at[idx_v.at[pl.ds(j * chunk, chunk)]], rows[b], gsem[b]
            )

        def write(j, b):
            for g in range(BGRP):
                pltpu.async_copy(
                    rows[b].at[pl.ds(g * L, L), :],
                    out_hbm.at[base_b + j * BGRP + g],
                    wsem[b],
                )

        def gwait(b):
            pltpu.make_async_copy(
                table_hbm.at[pl.ds(0, chunk)], rows[b], gsem[b]
            ).wait()

        def wwait(b):
            for g in range(BGRP):
                pltpu.make_async_copy(
                    rows[b].at[pl.ds(g * L, L), :],
                    out_hbm.at[base_b + g],
                    wsem[b],
                ).wait()

        for b in range(NBUF):
            gather(b, b)

        def body(si, carry):
            for b in range(NBUF):
                j = si * NBUF + b
                gwait(b)
                write(j, b)
                wwait(b)
                gather(j + NBUF, b)
            return carry

        lax.fori_loop(0, n_super - 1, body, 0)

        for b in range(NBUF):
            j = (n_super - 1) * NBUF + b
            gwait(b)
            write(j, b)
        for b in range(NBUF):
            wwait(b)

    return lookup


def kernel(x, table):
    B, L = x.shape
    x_flat = x.reshape(NW, B // NW * L)
    table_fat = _build_fat(table.T)
    out_fat = _make_gather(B, L)(x_flat, table_fat)
    return out_fat[:, :, :EMB]

# --- scband reference (transcript-rebuilt; emitter-appended) ---
"""Pipeline reference for scband-feature-embedding-8916352106641 (READ-ONLY COPY).

The authoritative reference and input builder live on the scoring server;
editing this copy changes nothing except your own understanding.
"""

import jax, jax.numpy as jnp
import numpy as np

VOCAB = 1000000
EMB = 64
B = 16384
L = 50

def setup_inputs(seed: int = 0) -> dict:
    key = jax.random.key(seed)
    k_idx, k_tab = jax.random.split(key)
    x = jax.random.randint(k_idx, (B, L), 0, VOCAB, dtype=jnp.int64 if jax.config.jax_enable_x64 else jnp.int32).astype(jnp.int32)
    scale = float(np.sqrt(3.0 / EMB))
    table = jax.random.uniform(k_tab, (VOCAB, EMB), minval=-scale, maxval=scale, dtype=jnp.float32)
    return {"x": x, "table": table}

def reference(x, table):
    # FeatureEmbedding.forward: embedding lookup followed by dropout.
    # Dropout is identity in eval mode, so the faithful inference computation
    # is the gather itself.
    out = jnp.take(table, x, axis=0)
    return out

if __name__ == "__main__":
    import jax
    _d = setup_inputs()
    print(jax.jit(kernel)(*tuple(_d.values())))

</pallas_src>

<mosaic_0001>
#map = affine_map<(d0, d1) -> (0, 0)>
#map1 = affine_map<(d0, d1) -> (0, 0, 0)>
module attributes {stable_mosaic.version = 14 : i64} {
  func.func @lookup(%arg0: i32, %arg1: i32, %arg2: memref<32x25600xi32, #tpu.memory_space<hbm>>, %arg3: memref<1000000x128xf32, #tpu.memory_space<hbm>>, %arg4: memref<16384x50x128xf32, #tpu.memory_space<hbm>>, %arg5: memref<25600xi32, #tpu.memory_space<vmem>>, %arg6: memref<200x128xf32, #tpu.memory_space<vmem>>, %arg7: memref<200x128xf32, #tpu.memory_space<vmem>>, %arg8: memref<200x128xf32, #tpu.memory_space<vmem>>, %arg9: memref<200x128xf32, #tpu.memory_space<vmem>>, %arg10: memref<!tpu.dma_semaphore, #tpu.memory_space<semaphore_mem>>, %arg11: memref<!tpu.dma_semaphore, #tpu.memory_space<semaphore_mem>>, %arg12: memref<!tpu.dma_semaphore, #tpu.memory_space<semaphore_mem>>, %arg13: memref<!tpu.dma_semaphore, #tpu.memory_space<semaphore_mem>>, %arg14: memref<!tpu.dma_semaphore, #tpu.memory_space<semaphore_mem>>, %arg15: memref<!tpu.dma_semaphore, #tpu.memory_space<semaphore_mem>>, %arg16: memref<!tpu.dma_semaphore, #tpu.memory_space<semaphore_mem>>, %arg17: memref<!tpu.dma_semaphore, #tpu.memory_space<semaphore_mem>>) attributes {dimension_semantics = [#tpu.dimension_semantics<core_parallel>, #tpu.dimension_semantics<subcore_parallel>], iteration_bounds = array<i64: 2, 16>, scalar_prefetch = 0 : i64, scratch_operands = 13 : i64, tpu.core_type = #tpu.core_type<sc_vector_subcore>, window_params = [{transform_indices = #map}, {transform_indices = #map}, {transform_indices = #map1}]} {
    %mul3A = arith.constant 2 : i32
    %mul3A_0 = arith.muli %arg1, %mul3A : i32
    %add3A = arith.addi %mul3A_0, %arg0 : i32
    %mul3A_1 = arith.constant 512 : i32
    %mul3A_2 = arith.muli %add3A, %mul3A_1 : i32
    "tpu.region"() ({
      %run_scoped3A = tpu.sem_alloc : memref<!tpu.dma_semaphore, #tpu.memory_space<semaphore_mem>>
      %dma_start3A_594 = arith.constant 0 : i32
      %dma_start3A_595 = tpu.memref_slice %arg2[%add3A, %dma_start3A_594] : memref<32x25600xi32, #tpu.memory_space<hbm>> -> memref<1x25600xi32, #tpu.memory_space<hbm>>
      %dma_start3A_596 = tpu.memref_squeeze %dma_start3A_595 : memref<1x25600xi32, #tpu.memory_space<hbm>> -> memref<25600xi32, #tpu.memory_space<hbm>>
      %dma_start3A_597 = arith.constant 0 : i32
      %dma_start3A_598 = tpu.memref_slice %arg2[%add3A, %dma_start3A_597] : memref<32x25600xi32, #tpu.memory_space<hbm>> -> memref<1x25600xi32, #tpu.memory_space<hbm>>
      %dma_start3A_599 = tpu.memref_squeeze %dma_start3A_598 : memref<1x25600xi32, #tpu.memory_space<hbm>> -> memref<25600xi32, #tpu.memory_space<hbm>>
      tpu.enqueue_dma source(%dma_start3A_599 : memref<25600xi32, #tpu.memory_space<hbm>>) target(%arg5 : memref<25600xi32, #tpu.memory_space<vmem>>) target_semaphore(%run_scoped3A : memref<!tpu.dma_semaphore, #tpu.memory_space<semaphore_mem>>)
      %dma_wait3A_600 = arith.constant 0 : i32
      %dma_wait3A_601 = tpu.memref_slice %arg2[%add3A, %dma_wait3A_600] : memref<32x25600xi32, #tpu.memory_space<hbm>> -> memref<1x25600xi32, #tpu.memory_space<hbm>>
      %dma_wait3A_602 = tpu.memref_squeeze %dma_wait3A_601 : memref<1x25600xi32, #tpu.memory_space<hbm>> -> memref<25600xi32, #tpu.memory_space<hbm>>
      %dma_wait3A_603 = arith.constant 0 : i32
      %dma_wait3A_604 = tpu.memref_slice %arg2[%add3A, %dma_wait3A_603] : memref<32x25600xi32, #tpu.memory_space<hbm>> -> memref<1x25600xi32, #tpu.memory_space<hbm>>
      %dma_wait3A_605 = tpu.memref_squeeze %dma_wait3A_604 : memref<1x25600xi32, #tpu.memory_space<hbm>> -> memref<25600xi32, #tpu.memory_space<hbm>>
      tpu.wait_dma2 semaphore(%run_scoped3A : memref<!tpu.dma_semaphore, #tpu.memory_space<semaphore_mem>>) src(%dma_wait3A_605 : memref<25600xi32, #tpu.memory_space<hbm>>) dst(%arg5 : memref<25600xi32, #tpu.memory_space<vmem>>)
      tpu.yield
    }) : () -> ()
    %dma_start3A = arith.constant 0 : i32
    %dma_start3A_3 = tpu.memref_slice %arg5[%dma_start3A] : memref<25600xi32, #tpu.memory_space<vmem>> -> memref<200xi32, #tpu.memory_space<vmem>>
    %dma_start3A_4 = arith.constant 0 : i32
    %dma_start3A_5 = arith.constant 0 : i32
    %dma_start3A_6 = tpu.memref_slice %arg3[%dma_start3A_4, %dma_start3A_5] : memref<1000000x128xf32, #tpu.memory_space<hbm>> -> memref<1000000x128xf32, #tpu.memory_space<hbm>>
    tpu.enqueue_indirect_dma source(%dma_start3A_6 : memref<1000000x128xf32, #tpu.memory_space<hbm>>) target(%arg6 : memref<200x128xf32, #tpu.memory_space<vmem>>) offsets(%dma_start3A_3 : memref<200xi32, #tpu.memory_space<vmem>>) semaphore(%arg10 : memref<!tpu.dma_semaphore, #tpu.memory_space<semaphore_mem>>)
    %dma_start3A_7 = arith.constant 200 : i32
    %dma_start3A_8 = tpu.memref_slice %arg5[%dma_start3A_7] : memref<25600xi32, #tpu.memory_space<vmem>> -> memref<200xi32, #tpu.memory_space<vmem>>
    %dma_start3A_9 = arith.constant 0 : i32
    %dma_start3A_10 = arith.constant 0 : i32
    %dma_start3A_11 = tpu.memref_slice %arg3[%dma_start3A_9, %dma_start3A_10] : memref<1000000x128xf32, #tpu.memory_space<hbm>> -> memref<1000000x128xf32, #tpu.memory_space<hbm>>
    tpu.enqueue_indirect_dma source(%dma_start3A_11 : memref<1000000x128xf32, #tpu.memory_space<hbm>>) target(%arg7 : memref<200x128xf32, #tpu.memory_space<vmem>>) offsets(%dma_start3A_8 : memref<200xi32, #tpu.memory_space<vmem>>) semaphore(%arg11 : memref<!tpu.dma_semaphore, #tpu.memory_space<semaphore_mem>>)
    %dma_start3A_12 = arith.constant 400 : i32
    %dma_start3A_13 = tpu.memref_slice %arg5[%dma_start3A_12] : memref<25600xi32, #tpu.memory_space<vmem>> -> memref<200xi32, #tpu.memory_space<vmem>>
    %dma_start3A_14 = arith.constant 0 : i32
    %dma_start3A_15 = arith.constant 0 : i32
    %dma_start3A_16 = tpu.memref_slice %arg3[%dma_start3A_14, %dma_start3A_15] : memref<1000000x128xf32, #tpu.memory_space<hbm>> -> memref<1000000x128xf32, #tpu.memory_space<hbm>>
    tpu.enqueue_indirect_dma source(%dma_start3A_16 : memref<1000000x128xf32, #tpu.memory_space<hbm>>) target(%arg8 : memref<200x128xf32, #tpu.memory_space<vmem>>) offsets(%dma_start3A_13 : memref<200xi32, #tpu.memory_space<vmem>>) semaphore(%arg12 : memref<!tpu.dma_semaphore, #tpu.memory_space<semaphore_mem>>)
    %dma_start3A_17 = arith.constant 600 : i32
    %dma_start3A_18 = tpu.memref_slice %arg5[%dma_start3A_17] : memref<25600xi32, #tpu.memory_space<vmem>> -> memref<200xi32, #tpu.memory_space<vmem>>
    %dma_start3A_19 = arith.constant 0 : i32
    %dma_start3A_20 = arith.constant 0 : i32
    %dma_start3A_21 = tpu.memref_slice %arg3[%dma_start3A_19, %dma_start3A_20] : memref<1000000x128xf32, #tpu.memory_space<hbm>> -> memref<1000000x128xf32, #tpu.memory_space<hbm>>
    tpu.enqueue_indirect_dma source(%dma_start3A_21 : memref<1000000x128xf32, #tpu.memory_space<hbm>>) target(%arg9 : memref<200x128xf32, #tpu.memory_space<vmem>>) offsets(%dma_start3A_18 : memref<200xi32, #tpu.memory_space<vmem>>) semaphore(%arg13 : memref<!tpu.dma_semaphore, #tpu.memory_space<semaphore_mem>>)
    %scan3A = arith.constant 0 : i32
    %scan3A_22 = arith.constant 0 : i32
    %scan3A_23 = arith.constant 31 : i32
    %scan3A_24 = arith.addi %scan3A_22, %scan3A_23 : i32
    %scan3A_25 = arith.constant 1 : i32
    scf.for %scan3A_594 = %scan3A_22 to %scan3A_24 step %scan3A_25  : i32 {
      %mul3A_595 = arith.constant 4 : i32
      %mul3A_596 = arith.muli %scan3A_594, %mul3A_595 : i32
      %add3A_597 = arith.constant 0 : i32
      %add3A_598 = arith.addi %mul3A_596, %add3A_597 : i32
      %dma_wait3A_599 = arith.constant 0 : i32
      %dma_wait3A_600 = arith.constant 0 : i32
      %dma_wait3A_601 = tpu.memref_slice %arg3[%dma_wait3A_599, %dma_wait3A_600] : memref<1000000x128xf32, #tpu.memory_space<hbm>> -> memref<200x128xf32, #tpu.memory_space<hbm>>
      %dma_wait3A_602 = arith.constant 0 : i32
      %dma_wait3A_603 = arith.constant 0 : i32
      %dma_wait3A_604 = tpu.memref_slice %arg3[%dma_wait3A_602, %dma_wait3A_603] : memref<1000000x128xf32, #tpu.memory_space<hbm>> -> memref<200x128xf32, #tpu.memory_space<hbm>>
      tpu.wait_dma2 semaphore(%arg10 : memref<!tpu.dma_semaphore, #tpu.memory_space<semaphore_mem>>) src(%dma_wait3A_604 : memref<200x128xf32, #tpu.memory_space<hbm>>) dst(%arg6 : memref<200x128xf32, #tpu.memory_space<vmem>>)
      %mul3A_605 = arith.constant 4 : i32
      %mul3A_606 = arith.muli %add3A_598, %mul3A_605 : i32
      %add3A_607 = arith.addi %mul3A_2, %mul3A_606 : i32
      %add3A_608 = arith.constant 0 : i32
      %add3A_609 = arith.addi %add3A_607, %add3A_608 : i32
      %dma_start3A_610 = arith.constant 0 : i32
      %dma_start3A_611 = arith.constant 0 : i32
      %dma_start3A_612 = tpu.memref_slice %arg6[%dma_start3A_610, %dma_start3A_611] : memref<200x128xf32, #tpu.memory_space<vmem>> -> memref<50x128xf32, #tpu.memory_space<vmem>>
      %dma_start3A_613 = arith.constant 0 : i32
      %dma_start3A_614 = arith.constant 0 : i32
      %dma_start3A_615 = tpu.memref_slice %arg4[%add3A_609, %dma_start3A_613, %dma_start3A_614] : memref<16384x50x128xf32, #tpu.memory_space<hbm>> -> memref<1x50x128xf32, #tpu.memory_space<hbm>>
      %dma_start3A_616 = tpu.memref_squeeze %dma_start3A_615 : memref<1x50x128xf32, #tpu.memory_space<hbm>> -> memref<50x128xf32, #tpu.memory_space<hbm>>
      %dma_start3A_617 = arith.constant 0 : i32
      %dma_start3A_618 = arith.constant 0 : i32
      %dma_start3A_619 = tpu.memref_slice %arg4[%add3A_609, %dma_start3A_617, %dma_start3A_618] : memref<16384x50x128xf32, #tpu.memory_space<hbm>> -> memref<1x50x128xf32, #tpu.memory_space<hbm>>
      %dma_start3A_620 = tpu.memref_squeeze %dma_start3A_619 : memref<1x50x128xf32, #tpu.memory_space<hbm>> -> memref<50x128xf32, #tpu.memory_space<hbm>>
      %dma_start3A_621 = arith.constant 0 : i32
      %dma_start3A_622 = arith.constant 0 : i32
      %dma_start3A_623 = tpu.memref_slice %arg6[%dma_start3A_621, %dma_start3A_622] : memref<200x128xf32, #tpu.memory_space<vmem>> -> memref<50x128xf32, #tpu.memory_space<vmem>>
      tpu.enqueue_dma source(%dma_start3A_623 : memref<50x128xf32, #tpu.memory_space<vmem>>) target(%dma_start3A_620 : memref<50x128xf32, #tpu.memory_space<hbm>>) target_semaphore(%arg14 : memref<!tpu.dma_semaphore, #tpu.memory_space<semaphore_mem>>)
      %mul3A_624 = arith.constant 4 : i32
      %mul3A_625 = arith.muli %add3A_598, %mul3A_624 : i32
      %add3A_626 = arith.addi %mul3A_2, %mul3A_625 : i32
      %add3A_627 = arith.constant 1 : i32
      %add3A_628 = arith.addi %add3A_626, %add3A_627 : i32
      %dma_start3A_629 = arith.constant 50 : i32
      %dma_start3A_630 = arith.constant 0 : i32
      %dma_start3A_631 = tpu.memref_slice %arg6[%dma_start3A_629, %dma_start3A_630] : memref<200x128xf32, #tpu.memory_space<vmem>> -> memref<50x128xf32, #tpu.memory_space<vmem>>
      %dma_start3A_632 = arith.constant 0 : i32
      %dma_start3A_633 = arith.constant 0 : i32
      %dma_start3A_634 = tpu.memref_slice %arg4[%add3A_628, %dma_start3A_632, %dma_start3A_633] : memref<16384x50x128xf32, #tpu.memory_space<hbm>> -> memref<1x50x128xf32, #tpu.memory_space<hbm>>
      %dma_start3A_635 = tpu.memref_squeeze %dma_start3A_634 : memref<1x50x128xf32, #tpu.memory_space<hbm>> -> memref<50x128xf32, #tpu.memory_space<hbm>>
      %dma_start3A_636 = arith.constant 0 : i32
      %dma_start3A_637 = arith.constant 0 : i32
      %dma_start3A_638 = tpu.memref_slice %arg4[%add3A_628, %dma_start3A_636, %dma_start3A_637] : memref<16384x50x128xf32, #tpu.memory_space<hbm>> -> memref<1x50x128xf32, #tpu.memory_space<hbm>>
      %dma_start3A_639 = tpu.memref_squeeze %dma_start3A_638 : memref<1x50x128xf32, #tpu.memory_space<hbm>> -> memref<50x128xf32, #tpu.memory_space<hbm>>
      %dma_start3A_640 = arith.constant 50 : i32
      %dma_start3A_641 = arith.constant 0 : i32
      %dma_start3A_642 = tpu.memref_slice %arg6[%dma_start3A_640, %dma_start3A_641] : memref<200x128xf32, #tpu.memory_space<vmem>> -> memref<50x128xf32, #tpu.memory_space<vmem>>
      tpu.enqueue_dma source(%dma_start3A_642 : memref<50x128xf32, #tpu.memory_space<vmem>>) target(%dma_start3A_639 : memref<50x128xf32, #tpu.memory_space<hbm>>) target_semaphore(%arg14 : memref<!tpu.dma_semaphore, #tpu.memory_space<semaphore_mem>>)
      %mul3A_643 = arith.constant 4 : i32
      %mul3A_644 = arith.muli %add3A_598, %mul3A_643 : i32
      %add3A_645 = arith.addi %mul3A_2, %mul3A_644 : i32
      %add3A_646 = arith.constant 2 : i32
      %add3A_647 = arith.addi %add3A_645, %add3A_646 : i32
      %dma_start3A_648 = arith.constant 100 : i32
      %dma_start3A_649 = arith.constant 0 : i32
      %dma_start3A_650 = tpu.memref_slice %arg6[%dma_start3A_648, %dma_start3A_649] : memref<200x128xf32, #tpu.memory_space<vmem>> -> memref<50x128xf32, #tpu.memory_space<vmem>>
      %dma_start3A_651 = arith.constant 0 : i32
      %dma_start3A_652 = arith.constant 0 : i32
      %dma_start3A_653 = tpu.memref_slice %arg4[%add3A_647, %dma_start3A_651, %dma_start3A_652] : memref<16384x50x128xf32, #tpu.memory_space<hbm>> -> memref<1x50x128xf32, #tpu.memory_space<hbm>>
      %dma_start3A_654 = tpu.memref_squeeze %dma_start3A_653 : memref<1x50x128xf32, #tpu.memory_space<hbm>> -> memref<50x128xf32, #tpu.memory_space<hbm>>
      %dma_start3A_655 = arith.constant 0 : i32
      %dma_start3A_656 = arith.constant 0 : i32
      %dma_start3A_657 = tpu.memref_slice %arg4[%add3A_647, %dma_start3A_655, %dma_start3A_656] : memref<16384x50x128xf32, #tpu.memory_space<hbm>> -> memref<1x50x128xf32, #tpu.memory_space<hbm>>
      %dma_start3A_658 = tpu.memref_squeeze %dma_start3A_657 : memref<1x50x128xf32, #tpu.memory_space<hbm>> -> memref<50x128xf32, #tpu.memory_space<hbm>>
      %dma_start3A_659 = arith.constant 100 : i32
      %dma_start3A_660 = arith.constant 0 : i32
      %dma_start3A_661 = tpu.memref_slice %arg6[%dma_start3A_659, %dma_start3A_660] : memref<200x128xf32, #tpu.memory_space<vmem>> -> memref<50x128xf32, #tpu.memory_space<vmem>>
      tpu.enqueue_dma source(%dma_start3A_661 : memref<50x128xf32, #tpu.memory_space<vmem>>) target(%dma_start3A_658 : memref<50x128xf32, #tpu.memory_space<hbm>>) target_semaphore(%arg14 : memref<!tpu.dma_semaphore, #tpu.memory_space<semaphore_mem>>)
      %mul3A_662 = arith.constant 4 : i32
      %mul3A_663 = arith.muli %add3A_598, %mul3A_662 : i32
      %add3A_664 = arith.addi %mul3A_2, %mul3A_663 : i32
      %add3A_665 = arith.constant 3 : i32
      %add3A_666 = arith.addi %add3A_664, %add3A_665 : i32
      %dma_start3A_667 = arith.constant 150 : i32
      %dma_start3A_668 = arith.constant 0 : i32
      %dma_start3A_669 = tpu.memref_slice %arg6[%dma_start3A_667, %dma_start3A_668] : memref<200x128xf32, #tpu.memory_space<vmem>> -> memref<50x128xf32, #tpu.memory_space<vmem>>
      %dma_start3A_670 = arith.constant 0 : i32
      %dma_start3A_671 = arith.constant 0 : i32
      %dma_start3A_672 = tpu.memref_slice %arg4[%add3A_666, %dma_start3A_670, %dma_start3A_671] : memref<16384x50x128xf32, #tpu.memory_space<hbm>> -> memref<1x50x128xf32, #tpu.memory_space<hbm>>
      %dma_start3A_673 = tpu.memref_squeeze %dma_start3A_672 : memref<1x50x128xf32, #tpu.memory_space<hbm>> -> memref<50x128xf32, #tpu.memory_space<hbm>>
      %dma_start3A_674 = arith.constant 0 : i32
      %dma_start3A_675 = arith.constant 0 : i32
      %dma_start3A_676 = tpu.memref_slice %arg4[%add3A_666, %dma_start3A_674, %dma_start3A_675] : memref<16384x50x128xf32, #tpu.memory_space<hbm>> -> memref<1x50x128xf32, #tpu.memory_space<hbm>>
      %dma_start3A_677 = tpu.memref_squeeze %dma_start3A_676 : memref<1x50x128xf32, #tpu.memory_space<hbm>> -> memref<50x128xf32, #tpu.memory_space<hbm>>
      %dma_start3A_678 = arith.constant 150 : i32
      %dma_start3A_679 = arith.constant 0 : i32
      %dma_start3A_680 = tpu.memref_slice %arg6[%dma_start3A_678, %dma_start3A_679] : memref<200x128xf32, #tpu.memory_space<vmem>> -> memref<50x128xf32, #tpu.memory_space<vmem>>
      tpu.enqueue_dma source(%dma_start3A_680 : memref<50x128xf32, #tpu.memory_space<vmem>>) target(%dma_start3A_677 : memref<50x128xf32, #tpu.memory_space<hbm>>) target_semaphore(%arg14 : memref<!tpu.dma_semaphore, #tpu.memory_space<semaphore_mem>>)
      %add3A_681 = arith.constant 0 : i32
      %add3A_682 = arith.addi %mul3A_2, %add3A_681 : i32
      %dma_wait3A_683 = arith.constant 0 : i32
      %dma_wait3A_684 = arith.constant 0 : i32
      %dma_wait3A_685 = tpu.memref_slice %arg6[%dma_wait3A_683, %dma_wait3A_684] : memref<200x128xf32, #tpu.memory_space<vmem>> -> memref<50x128xf32, #tpu.memory_space<vmem>>
      %dma_wait3A_686 = arith.constant 0 : i32
      %dma_wait3A_687 = arith.constant 0 : i32
      %dma_wait3A_688 = tpu.memref_slice %arg4[%add3A_682, %dma_wait3A_686, %dma_wait3A_687] : memref<16384x50x128xf32, #tpu.memory_space<hbm>> -> memref<1x50x128xf32, #tpu.memory_space<hbm>>
      %dma_wait3A_689 = tpu.memref_squeeze %dma_wait3A_688 : memref<1x50x128xf32, #tpu.memory_space<hbm>> -> memref<50x128xf32, #tpu.memory_space<hbm>>
      %dma_wait3A_690 = arith.constant 0 : i32
      %dma_wait3A_691 = arith.constant 0 : i32
      %dma_wait3A_692 = tpu.memref_slice %arg4[%add3A_682, %dma_wait3A_690, %dma_wait3A_691] : memref<16384x50x128xf32, #tpu.memory_space<hbm>> -> memref<1x50x128xf32, #tpu.memory_space<hbm>>
      %dma_wait3A_693 = tpu.memref_squeeze %dma_wait3A_692 : memref<1x50x128xf32, #tpu.memory_space<hbm>> -> memref<50x128xf32, #tpu.memory_space<hbm>>
      %dma_wait3A_694 = arith.constant 0 : i32
      %dma_wait3A_695 = arith.constant 0 : i32
      %dma_wait3A_696 = tpu.memref_slice %arg6[%dma_wait3A_694, %dma_wait3A_695] : memref<200x128xf32, #tpu.memory_space<vmem>> -> memref<50x128xf32, #tpu.memory_space<vmem>>
      tpu.wait_dma2 semaphore(%arg14 : memref<!tpu.dma_semaphore, #tpu.memory_space<semaphore_mem>>) src(%dma_wait3A_696 : memref<50x128xf32, #tpu.memory_space<vmem>>) dst(%dma_wait3A_693 : memref<50x128xf32, #tpu.memory_space<hbm>>)
      %add3A_697 = arith.constant 1 : i32
      %add3A_698 = arith.addi %mul3A_2, %add3A_697 : i32
      %dma_wait3A_699 = arith.constant 50 : i32
      %dma_wait3A_700 = arith.constant 0 : i32
      %dma_wait3A_701 = tpu.memref_slice %arg6[%dma_wait3A_699, %dma_wait3A_700] : memref<200x128xf32, #tpu.memory_space<vmem>> -> memref<50x128xf32, #tpu.memory_space<vmem>>
      %dma_wait3A_702 = arith.constant 0 : i32
      %dma_wait3A_703 = arith.constant 0 : i32
      %dma_wait3A_704 = tpu.memref_slice %arg4[%add3A_698, %dma_wait3A_702, %dma_wait3A_703] : memref<16384x50x128xf32, #tpu.memory_space<hbm>> -> memref<1x50x128xf32, #tpu.memory_space<hbm>>
      %dma_wait3A_705 = tpu.memref_squeeze %dma_wait3A_704 : memref<1x50x128xf32, #tpu.memory_space<hbm>> -> memref<50x128xf32, #tpu.memory_space<hbm>>
      %dma_wait3A_706 = arith.constant 0 : i32
      %dma_wait3A_707 = arith.constant 0 : i32
      %dma_wait3A_708 = tpu.memref_slice %arg4[%add3A_698, %dma_wait3A_706, %dma_wait3A_707] : memref<16384x50x128xf32, #tpu.memory_space<hbm>> -> memref<1x50x128xf32, #tpu.memory_space<hbm>>
      %dma_wait3A_709 = tpu.memref_squeeze %dma_wait3A_708 : memref<1x50x128xf32, #tpu.memory_space<hbm>> -> memref<50x128xf32, #tpu.memory_space<hbm>>
      %dma_wait3A_710 = arith.constant 50 : i32
      %dma_wait3A_711 = arith.constant 0 : i32
      %dma_wait3A_712 = tpu.memref_slice %arg6[%dma_wait3A_710, %dma_wait3A_711] : memref<200x128xf32, #tpu.memory_space<vmem>> -> memref<50x128xf32, #tpu.memory_space<vmem>>
      tpu.wait_dma2 semaphore(%arg14 : memref<!tpu.dma_semaphore, #tpu.memory_space<semaphore_mem>>) src(%dma_wait3A_712 : memref<50x128xf32, #tpu.memory_space<vmem>>) dst(%dma_wait3A_709 : memref<50x128xf32, #tpu.memory_space<hbm>>)
      %add3A_713 = arith.constant 2 : i32
      %add3A_714 = arith.addi %mul3A_2, %add3A_713 : i32
      %dma_wait3A_715 = arith.constant 100 : i32
      %dma_wait3A_716 = arith.constant 0 : i32
      %dma_wait3A_717 = tpu.memref_slice %arg6[%dma_wait3A_715, %dma_wait3A_716] : memref<200x128xf32, #tpu.memory_space<vmem>> -> memref<50x128xf32, #tpu.memory_space<vmem>>
      %dma_wait3A_718 = arith.constant 0 : i32
      %dma_wait3A_719 = arith.constant 0 : i32
      %dma_wait3A_720 = tpu.memref_slice %arg4[%add3A_714, %dma_wait3A_718, %dma_wait3A_719] : memref<16384x50x128xf32, #tpu.memory_space<hbm>> -> memref<1x50x128xf32, #tpu.memory_space<hbm>>
      %dma_wait3A_721 = tpu.memref_squeeze %dma_wait3A_720 : memref<1x50x128xf32, #tpu.memory_space<hbm>> -> memref<50x128xf32, #tpu.memory_space<hbm>>
      %dma_wait3A_722 = arith.constant 0 : i32
      %dma_wait3A_723 = arith.constant 0 : i32
      %dma_wait3A_724 = tpu.memref_slice %arg4[%add3A_714, %dma_wait3A_722, %dma_wait3A_723] : memref<16384x50x128xf32, #tpu.memory_space<hbm>> -> memref<1x50x128xf32, #tpu.memory_space<hbm>>
      %dma_wait3A_725 = tpu.memref_squeeze %dma_wait3A_724 : memref<1x50x128xf32, #tpu.memory_space<hbm>> -> memref<50x128xf32, #tpu.memory_space<hbm>>
      %dma_wait3A_726 = arith.constant 100 : i32
      %dma_wait3A_727 = arith.constant 0 : i32
      %dma_wait3A_728 = tpu.memref_slice %arg6[%dma_wait3A_726, %dma_wait3A_727] : memref<200x128xf32, #tpu.memory_space<vmem>> -> memref<50x128xf32, #tpu.memory_space<vmem>>
      tpu.wait_dma2 semaphore(%arg14 : memref<!tpu.dma_semaphore, #tpu.memory_space<semaphore_mem>>) src(%dma_wait3A_728 : memref<50x128xf32, #tpu.memory_space<vmem>>) dst(%dma_wait3A_725 : memref<50x128xf32, #tpu.memory_space<hbm>>)
      %add3A_729 = arith.constant 3 : i32
      %add3A_730 = arith.addi %mul3A_2, %add3A_729 : i32
      %dma_wait3A_731 = arith.constant 150 : i32
      %dma_wait3A_732 = arith.constant 0 : i32
      %dma_wait3A_733 = tpu.memref_slice %arg6[%dma_wait3A_731, %dma_wait3A_732] : memref<200x128xf32, #tpu.memory_space<vmem>> -> memref<50x128xf32, #tpu.memory_space<vmem>>
      %dma_wait3A_734 = arith.constant 0 : i32
      %dma_wait3A_735 = arith.constant 0 : i32
      %dma_wait3A_736 = tpu.memref_slice %arg4[%add3A_730, %dma_wait3A_734, %dma_wait3A_735] : memref<16384x50x128xf32, #tpu.memory_space<hbm>> -> memref<1x50x128xf32, #tpu.memory_space<hbm>>
      %dma_wait3A_737 = tpu.memref_squeeze %dma_wait3A_736 : memref<1x50x128xf32, #tpu.memory_space<hbm>> -> memref<50x128xf32, #tpu.memory_space<hbm>>
      %dma_wait3A_738 = arith.constant 0 : i32
      %dma_wait3A_739 = arith.constant 0 : i32
      %dma_wait3A_740 = tpu.memref_slice %arg4[%add3A_730, %dma_wait3A_738, %dma_wait3A_739] : memref<16384x50x128xf32, #tpu.memory_space<hbm>> -> memref<1x50x128xf32, #tpu.memory_space<hbm>>
      %dma_wait3A_741 = tpu.memref_squeeze %dma_wait3A_740 : memref<1x50x128xf32, #tpu.memory_space<hbm>> -> memref<50x128xf32, #tpu.memory_space<hbm>>
      %dma_wait3A_742 = arith.constant 150 : i32
      %dma_wait3A_743 = arith.constant 0 : i32
      %dma_wait3A_744 = tpu.memref_slice %arg6[%dma_wait3A_742, %dma_wait3A_743] : memref<200x128xf32, #tpu.memory_space<vmem>> -> memref<50x128xf32, #tpu.memory_space<vmem>>
      tpu.wait_dma2 semaphore(%arg14 : memref<!tpu.dma_semaphore, #tpu.memory_space<semaphore_mem>>) src(%dma_wait3A_744 : memref<50x128xf32, #tpu.memory_space<vmem>>) dst(%dma_wait3A_741 : memref<50x128xf32, #tpu.memory_space<hbm>>)
      %add3A_745 = arith.constant 4 : i32
      %add3A_746 = arith.addi %add3A_598, %add3A_745 : i32
      %mul3A_747 = arith.constant 200 : i32
      %mul3A_748 = arith.muli %add3A_746, %mul3A_747 : i32
      %dma_start3A_749 = tpu.memref_slice %arg5[%mul3A_748] : memref<25600xi32, #tpu.memory_space<vmem>> -> memref<200xi32, #tpu.memory_space<vmem>>
      %dma_start3A_750 = arith.constant 0 : i32
      %dma_start3A_751 = arith.constant 0 : i32
      %dma_start3A_752 = tpu.memref_slice %arg3[%dma_start3A_750, %dma_start3A_751] : memref<1000000x128xf32, #tpu.memory_space<hbm>> -> memref<1000000x128xf32, #tpu.memory_space<hbm>>
      tpu.enqueue_indirect_dma source(%dma_start3A_752 : memref<1000000x128xf32, #tpu.memory_space<hbm>>) target(%arg6 : memref<200x128xf32, #tpu.memory_space<vmem>>) offsets(%dma_start3A_749 : memref<200xi32, #tpu.memory_space<vmem>>) semaphore(%arg10 : memref<!tpu.dma_semaphore, #tpu.memory_space<semaphore_mem>>)
      %mul3A_753 = arith.constant 4 : i32
      %mul3A_754 = arith.muli %scan3A_594, %mul3A_753 : i32
      %add3A_755 = arith.constant 1 : i32
      %add3A_756 = arith.addi %mul3A_754, %add3A_755 : i32
      %dma_wait3A_757 = arith.constant 0 : i32
      %dma_wait3A_758 = arith.constant 0 : i32
      %dma_wait3A_759 = tpu.memref_slice %arg3[%dma_wait3A_757, %dma_wait3A_758] : memref<1000000x128xf32, #tpu.memory_space<hbm>> -> memref<200x128xf32, #tpu.memory_space<hbm>>
      %dma_wait3A_760 = arith.constant 0 : i32
      %dma_wait3A_761 = arith.constant 0 : i32
      %dma_wait3A_762 = tpu.memref_slice %arg3[%dma_wait3A_760, %dma_wait3A_761] : memref<1000000x128xf32, #tpu.memory_space<hbm>> -> memref<200x128xf32, #tpu.memory_space<hbm>>
      tpu.wait_dma2 semaphore(%arg11 : memref<!tpu.dma_semaphore, #tpu.memory_space<semaphore_mem>>) src(%dma_wait3A_762 : memref<200x128xf32, #tpu.memory_space<hbm>>) dst(%arg7 : memref<200x128xf32, #tpu.memory_space<vmem>>)
      %mul3A_763 = arith.constant 4 : i32
      %mul3A_764 = arith.muli %add3A_756, %mul3A_763 : i32
      %add3A_765 = arith.addi %mul3A_2, %mul3A_764 : i32
      %add3A_766 = arith.constant 0 : i32
      %add3A_767 = arith.addi %add3A_765, %add3A_766 : i32
      %dma_start3A_768 = arith.constant 0 : i32
      %dma_start3A_769 = arith.constant 0 : i32
      %dma_start3A_770 = tpu.memref_slice %arg7[%dma_start3A_768, %dma_start3A_769] : memref<200x128xf32, #tpu.memory_space<vmem>> -> memref<50x128xf32, #tpu.memory_space<vmem>>
      %dma_start3A_771 = arith.constant 0 : i32
      %dma_start3A_772 = arith.constant 0 : i32
      %dma_start3A_773 = tpu.memref_slice %arg4[%add3A_767, %dma_start3A_771, %dma_start3A_772] : memref<16384x50x128xf32, #tpu.memory_space<hbm>> -> memref<1x50x128xf32, #tpu.memory_space<hbm>>
      %dma_start3A_774 = tpu.memref_squeeze %dma_start3A_773 : memref<1x50x128xf32, #tpu.memory_space<hbm>> -> memref<50x128xf32, #tpu.memory_space<hbm>>
      %dma_start3A_775 = arith.constant 0 : i32
      %dma_start3A_776 = arith.constant 0 : i32
      %dma_start3A_777 = tpu.memref_slice %arg4[%add3A_767, %dma_start3A_775, %dma_start3A_776] : memref<16384x50x128xf32, #tpu.memory_space<hbm>> -> memref<1x50x128xf32, #tpu.memory_space<hbm>>
      %dma_start3A_778 = tpu.memref_squeeze %dma_start3A_777 : memref<1x50x128xf32, #tpu.memory_space<hbm>> -> memref<50x128xf32, #tpu.memory_space<hbm>>
      %dma_start3A_779 = arith.constant 0 : i32
      %dma_start3A_780 = arith.constant 0 : i32
      %dma_start3A_781 = tpu.memref_slice %arg7[%dma_start3A_779, %dma_start3A_780] : memref<200x128xf32, #tpu.memory_space<vmem>> -> memref<50x128xf32, #tpu.memory_space<vmem>>
      tpu.enqueue_dma source(%dma_start3A_781 : memref<50x128xf32, #tpu.memory_space<vmem>>) target(%dma_start3A_778 : memref<50x128xf32, #tpu.memory_space<hbm>>) target_semaphore(%arg15 : memref<!tpu.dma_semaphore, #tpu.memory_space<semaphore_mem>>)
      %mul3A_782 = arith.constant 4 : i32
      %mul3A_783 = arith.muli %add3A_756, %mul3A_782 : i32
      %add3A_784 = arith.addi %mul3A_2, %mul3A_783 : i32
      %add3A_785 = arith.constant 1 : i32
      %add3A_786 = arith.addi %add3A_784, %add3A_785 : i32
      %dma_start3A_787 = arith.constant 50 : i32
      %dma_start3A_788 = arith.constant 0 : i32
      %dma_start3A_789 = tpu.memref_slice %arg7[%dma_start3A_787, %dma_start3A_788] : memref<200x128xf32, #tpu.memory_space<vmem>> -> memref<50x128xf32, #tpu.memory_space<vmem>>
      %dma_start3A_790 = arith.constant 0 : i32
      %dma_start3A_791 = arith.constant 0 : i32
      %dma_start3A_792 = tpu.memref_slice %arg4[%add3A_786, %dma_start3A_790, %dma_start3A_791] : memref<16384x50x128xf32, #tpu.memory_space<hbm>> -> memref<1x50x128xf32, #tpu.memory_space<hbm>>
      %dma_start3A_793 = tpu.memref_squeeze %dma_start3A_792 : memref<1x50x128xf32, #tpu.memory_space<hbm>> -> memref<50x128xf32, #tpu.memory_space<hbm>>
      %dma_start3A_794 = arith.constant 0 : i32
      %dma_start3A_795 = arith.constant 0 : i32
      %dma_start3A_796 = tpu.memref_slice %arg4[%add3A_786, %dma_start3A_794, %dma_start3A_795] : memref<16384x50x128xf32, #tpu.memory_space<hbm>> -> memref<1x50x128xf32, #tpu.memory_space<hbm>>
      %dma_start3A_797 = tpu.memref_squeeze %dma_start3A_796 : memref<1x50x128xf32, #tpu.memory_space<hbm>> -> memref<50x128xf32, #tpu.memory_space<hbm>>
      %dma_start3A_798 = arith.constant 50 : i32
      %dma_start3A_799 = arith.constant 0 : i32
      %dma_start3A_800 = tpu.memref_slice %arg7[%dma_start3A_798, %dma_start3A_799] : memref<200x128xf32, #tpu.memory_space<vmem>> -> memref<50x128xf32, #tpu.memory_space<vmem>>
      tpu.enqueue_dma source(%dma_start3A_800 : memref<50x128xf32, #tpu.memory_space<vmem>>) target(%dma_start3A_797 : memref<50x128xf32, #tpu.memory_space<hbm>>) target_semaphore(%arg15 : memref<!tpu.dma_semaphore, #tpu.memory_space<semaphore_mem>>)
      %mul3A_801 = arith.constant 4 : i32
      %mul3A_802 = arith.muli %add3A_756, %mul3A_801 : i32
      %add3A_803 = arith.addi %mul3A_2, %mul3A_802 : i32
      %add3A_804 = arith.constant 2 : i32
      %add3A_805 = arith.addi %add3A_803, %add3A_804 : i32
      %dma_start3A_806 = arith.constant 100 : i32
      %dma_start3A_807 = arith.constant 0 : i32
      %dma_start3A_808 = tpu.memref_slice %arg7[%dma_start3A_806, %dma_start3A_807] : memref<200x128xf32, #tpu.memory_space<vmem>> -> memref<50x128xf32, #tpu.memory_space<vmem>>
      %dma_start3A_809 = arith.constant 0 : i32
      %dma_start3A_810 = arith.constant 0 : i32
      %dma_start3A_811 = tpu.memref_slice %arg4[%add3A_805, %dma_start3A_809, %dma_start3A_810] : memref<16384x50x128xf32, #tpu.memory_space<hbm>> -> memref<1x50x128xf32, #tpu.memory_space<hbm>>
      %dma_start3A_812 = tpu.memref_squeeze %dma_start3A_811 : memref<1x50x128xf32, #tpu.memory_space<hbm>> -> memref<50x128xf32, #tpu.memory_space<hbm>>
      %dma_start3A_813 = arith.constant 0 : i32
      %dma_start3A_814 = arith.constant 0 : i32
      %dma_start3A_815 = tpu.memref_slice %arg4[%add3A_805, %dma_start3A_813, %dma_start3A_814] : memref<16384x50x128xf32, #tpu.memory_space<hbm>> -> memref<1x50x128xf32, #tpu.memory_space<hbm>>
      %dma_start3A_816 = tpu.memref_squeeze %dma_start3A_815 : memref<1x50x128xf32, #tpu.memory_space<hbm>> -> memref<50x128xf32, #tpu.memory_space<hbm>>
      %dma_start3A_817 = arith.constant 100 : i32
      %dma_start3A_818 = arith.constant 0 : i32
      %dma_start3A_819 = tpu.memref_slice %arg7[%dma_start3A_817, %dma_start3A_818] : memref<200x128xf32, #tpu.memory_space<vmem>> -> memref<50x128xf32, #tpu.memory_space<vmem>>
      tpu.enqueue_dma source(%dma_start3A_819 : memref<50x128xf32, #tpu.memory_space<vmem>>) target(%dma_start3A_816 : memref<50x128xf32, #tpu.memory_space<hbm>>) target_semaphore(%arg15 : memref<!tpu.dma_semaphore, #tpu.memory_space<semaphore_mem>>)
      %mul3A_820 = arith.constant 4 : i32
      %mul3A_821 = arith.muli %add3A_756, %mul3A_820 : i32
      %add3A_822 = arith.addi %mul3A_2, %mul3A_821 : i32
      %add3A_823 = arith.constant 3 : i32
      %add3A_824 = arith.addi %add3A_822, %add3A_823 : i32
      %dma_start3A_825 = arith.constant 150 : i32
      %dma_start3A_826 = arith.constant 0 : i32
      %dma_start3A_827 = tpu.memref_slice %arg7[%dma_start3A_825, %dma_start3A_826] : memref<200x128xf32, #tpu.memory_space<vmem>> -> memref<50x128xf32, #tpu.memory_space<vmem>>
      %dma_start3A_828 = arith.constant 0 : i32
      %dma_start3A_829 = arith.constant 0 : i32
      %dma_start3A_830 = tpu.memref_slice %arg4[%add3A_824, %dma_start3A_828, %dma_start3A_829] : memref<16384x50x128xf32, #tpu.memory_space<hbm>> -> memref<1x50x128xf32, #tpu.memory_space<hbm>>
      %dma_start3A_831 = tpu.memref_squeeze %dma_start3A_830 : memref<1x50x128xf32, #tpu.memory_space<hbm>> -> memref<50x128xf32, #tpu.memory_space<hbm>>
      %dma_start3A_832 = arith.constant 0 : i32
      %dma_start3A_833 = arith.constant 0 : i32
      %dma_start3A_834 = tpu.memref_slice %arg4[%add3A_824, %dma_start3A_832, %dma_start3A_833] : memref<16384x50x128xf32, #tpu.memory_space<hbm>> -> memref<1x50x128xf32, #tpu.memory_space<hbm>>
      %dma_start3A_835 = tpu.memref_squeeze %dma_start3A_834 : memref<1x50x128xf32, #tpu.memory_space<hbm>> -> memref<50x128xf32, #tpu.memory_space<hbm>>
      %dma_start3A_836 = arith.constant 150 : i32
      %dma_start3A_837 = arith.constant 0 : i32
      %dma_start3A_838 = tpu.memref_slice %arg7[%dma_start3A_836, %dma_start3A_837] : memref<200x128xf32, #tpu.memory_space<vmem>> -> memref<50x128xf32, #tpu.memory_space<vmem>>
      tpu.enqueue_dma source(%dma_start3A_838 : memref<50x128xf32, #tpu.memory_space<vmem>>) target(%dma_start3A_835 : memref<50x128xf32, #tpu.memory_space<hbm>>) target_semaphore(%arg15 : memref<!tpu.dma_semaphore, #tpu.memory_space<semaphore_mem>>)
      %add3A_839 = arith.constant 0 : i32
      %add3A_840 = arith.addi %mul3A_2, %add3A_839 : i32
      %dma_wait3A_841 = arith.constant 0 : i32
      %dma_wait3A_842 = arith.constant 0 : i32
      %dma_wait3A_843 = tpu.memref_slice %arg7[%dma_wait3A_841, %dma_wait3A_842] : memref<200x128xf32, #tpu.memory_space<vmem>> -> memref<50x128xf32, #tpu.memory_space<vmem>>
      %dma_wait3A_844 = arith.constant 0 : i32
      %dma_wait3A_845 = arith.constant 0 : i32
      %dma_wait3A_846 = tpu.memref_slice %arg4[%add3A_840, %dma_wait3A_844, %dma_wait3A_845] : memref<16384x50x128xf32, #tpu.memory_space<hbm>> -> memref<1x50x128xf32, #tpu.memory_space<hbm>>
      %dma_wait3A_847 = tpu.memref_squeeze %dma_wait3A_846 : memref<1x50x128xf32, #tpu.memory_space<hbm>> -> memref<50x128xf32, #tpu.memory_space<hbm>>
      %dma_wait3A_848 = arith.constant 0 : i32
      %dma_wait3A_849 = arith.constant 0 : i32
      %dma_wait3A_850 = tpu.memref_slice %arg4[%add3A_840, %dma_wait3A_848, %dma_wait3A_849] : memref<16384x50x128xf32, #tpu.memory_space<hbm>> -> memref<1x50x128xf32, #tpu.memory_space<hbm>>
      %dma_wait3A_851 = tpu.memref_squeeze %dma_wait3A_850 : memref<1x50x128xf32, #tpu.memory_space<hbm>> -> memref<50x128xf32, #tpu.memory_space<hbm>>
      %dma_wait3A_852 = arith.constant 0 : i32
      %dma_wait3A_853 = arith.constant 0 : i32
      %dma_wait3A_854 = tpu.memref_slice %arg7[%dma_wait3A_852, %dma_wait3A_853] : memref<200x128xf32, #tpu.memory_space<vmem>> -> memref<50x128xf32, #tpu.memory_space<vmem>>
      tpu.wait_dma2 semaphore(%arg15 : memref<!tpu.dma_semaphore, #tpu.memory_space<semaphore_mem>>) src(%dma_wait3A_854 : memref<50x128xf32, #tpu.memory_space<vmem>>) dst(%dma_wait3A_851 : memref<50x128xf32, #tpu.memory_space<hbm>>)
      %add3A_855 = arith.constant 1 : i32
      %add3A_856 = arith.addi %mul3A_2, %add3A_855 : i32
      %dma_wait3A_857 = arith.constant 50 : i32
      %dma_wait3A_858 = arith.constant 0 : i32
      %dma_wait3A_859 = tpu.memref_slice %arg7[%dma_wait3A_857, %dma_wait3A_858] : memref<200x128xf32, #tpu.memory_space<vmem>> -> memref<50x128xf32, #tpu.memory_space<vmem>>
      %dma_wait3A_860 = arith.constant 0 : i32
      %dma_wait3A_861 = arith.constant 0 : i32
      %dma_wait3A_862 = tpu.memref_slice %arg4[%add3A_856, %dma_wait3A_860, %dma_wait3A_861] : memref<16384x50x128xf32, #tpu.memory_space<hbm>> -> memref<1x50x128xf32, #tpu.memory_space<hbm>>
      %dma_wait3A_863 = tpu.memref_squeeze %dma_wait3A_862 : memref<1x50x128xf32, #tpu.memory_space<hbm>> -> memref<50x128xf32, #tpu.memory_space<hbm>>
      %dma_wait3A_864 = arith.constant 0 : i32
      %dma_wait3A_865 = arith.constant 0 : i32
      %dma_wait3A_866 = tpu.memref_slice %arg4[%add3A_856, %dma_wait3A_864, %dma_wait3A_865] : memref<16384x50x128xf32, #tpu.memory_space<hbm>> -> memref<1x50x128xf32, #tpu.memory_space<hbm>>
      %dma_wait3A_867 = tpu.memref_squeeze %dma_wait3A_866 : memref<1x50x128xf32, #tpu.memory_space<hbm>> -> memref<50x128xf32, #tpu.memory_space<hbm>>
      %dma_wait3A_868 = arith.constant 50 : i32
      %dma_wait3A_869 = arith.constant 0 : i32
      %dma_wait3A_870 = tpu.memref_slice %arg7[%dma_wait3A_868, %dma_wait3A_869] : memref<200x128xf32, #tpu.memory_space<vmem>> -> memref<50x128xf32, #tpu.memory_space<vmem>>
      tpu.wait_dma2 semaphore(%arg15 : memref<!tpu.dma_semaphore, #tpu.memory_space<semaphore_mem>>) src(%dma_wait3A_870 : memref<50x128xf32, #tpu.memory_space<vmem>>) dst(%dma_wait3A_867 : memref<50x128xf32, #tpu.memory_space<hbm>>)
      %add3A_871 = arith.constant 2 : i32
      %add3A_872 = arith.addi %mul3A_2, %add3A_871 : i32
      %dma_wait3A_873 = arith.constant 100 : i32
      %dma_wait3A_874 = arith.constant 0 : i32
      %dma_wait3A_875 = tpu.memref_slice %arg7[%dma_wait3A_873, %dma_wait3A_874] : memref<200x128xf32, #tpu.memory_space<vmem>> -> memref<50x128xf32, #tpu.memory_space<vmem>>
      %dma_wait3A_876 = arith.constant 0 : i32
      %dma_wait3A_877 = arith.constant 0 : i32
      %dma_wait3A_878 = tpu.memref_slice %arg4[%add3A_872, %dma_wait3A_876, %dma_wait3A_877] : memref<16384x50x128xf32, #tpu.memory_space<hbm>> -> memref<1x50x128xf32, #tpu.memory_space<hbm>>
      %dma_wait3A_879 = tpu.memref_squeeze %dma_wait3A_878 : memref<1x50x128xf32, #tpu.memory_space<hbm>> -> memref<50x128xf32, #tpu.memory_space<hbm>>
      %dma_wait3A_880 = arith.constant 0 : i32
      %dma_wait3A_881 = arith.constant 0 : i32
      %dma_wait3A_882 = tpu.memref_slice %arg4[%add3A_872, %dma_wait3A_880, %dma_wait3A_881] : memref<16384x50x128xf32, #tpu.memory_space<hbm>> -> memref<1x50x128xf32, #tpu.memory_space<hbm>>
      %dma_wait3A_883 = tpu.memref_squeeze %dma_wait3A_882 : memref<1x50x128xf32, #tpu.memory_space<hbm>> -> memref<50x128xf32, #tpu.memory_space<hbm>>
      %dma_wait3A_884 = arith.constant 100 : i32
      %dma_wait3A_885 = arith.constant 0 : i32
      %dma_wait3A_886 = tpu.memref_slice %arg7[%dma_wait3A_884, %dma_wait3A_885] : memref<200x128xf32, #tpu.memory_space<vmem>> -> memref<50x128xf32, #tpu.memory_space<vmem>>
      tpu.wait_dma2 semaphore(%arg15 : memref<!tpu.dma_semaphore, #tpu.memory_space<semaphore_mem>>) src(%dma_wait3A_886 : memref<50x128xf32, #tpu.memory_space<vmem>>) dst(%dma_wait3A_883 : memref<50x128xf32, #tpu.memory_space<hbm>>)
      %add3A_887 = arith.constant 3 : i32
      %add3A_888 = arith.addi %mul3A_2, %add3A_887 : i32
      %dma_wait3A_889 = arith.constant 150 : i32
      %dma_wait3A_890 = arith.constant 0 : i32
      %dma_wait3A_891 = tpu.memref_slice %arg7[%dma_wait3A_889, %dma_wait3A_890] : memref<200x128xf32, #tpu.memory_space<vmem>> -> memref<50x128xf32, #tpu.memory_space<vmem>>
      %dma_wait3A_892 = arith.constant 0 : i32
      %dma_wait3A_893 = arith.constant 0 : i32
      %dma_wait3A_894 = tpu.memref_slice %arg4[%add3A_888, %dma_wait3A_892, %dma_wait3A_893] : memref<16384x50x128xf32, #tpu.memory_space<hbm>> -> memref<1x50x128xf32, #tpu.memory_space<hbm>>
      %dma_wait3A_895 = tpu.memref_squeeze %dma_wait3A_894 : memref<1x50x128xf32, #tpu.memory_space<hbm>> -> memref<50x128xf32, #tpu.memory_space<hbm>>
      %dma_wait3A_896 = arith.constant 0 : i32
      %dma_wait3A_897 = arith.constant 0 : i32
      %dma_wait3A_898 = tpu.memref_slice %arg4[%add3A_888, %dma_wait3A_896, %dma_wait3A_897] : memref<16384x50x128xf32, #tpu.memory_space<hbm>> -> memref<1x50x128xf32, #tpu.memory_space<hbm>>
      %dma_wait3A_899 = tpu.memref_squeeze %dma_wait3A_898 : memref<1x50x128xf32, #tpu.memory_space<hbm>> -> memref<50x128xf32, #tpu.memory_space<hbm>>
      %dma_wait3A_900 = arith.constant 150 : i32
      %dma_wait3A_901 = arith.constant 0 : i32
      %dma_wait3A_902 = tpu.memref_slice %arg7[%dma_wait3A_900, %dma_wait3A_901] : memref<200x128xf32, #tpu.memory_space<vmem>> -> memref<50x128xf32, #tpu.memory_space<vmem>>
      tpu.wait_dma2 semaphore(%arg15 : memref<!tpu.dma_semaphore, #tpu.memory_space<semaphore_mem>>) src(%dma_wait3A_902 : memref<50x128xf32, #tpu.memory_space<vmem>>) dst(%dma_wait3A_899 : memref<50x128xf32, #tpu.memory_space<hbm>>)
      %add3A_903 = arith.constant 4 : i32
      %add3A_904 = arith.addi %add3A_756, %add3A_903 : i32
      %mul3A_905 = arith.constant 200 : i32
      %mul3A_906 = arith.muli %add3A_904, %mul3A_905 : i32
      %dma_start3A_907 = tpu.memref_slice %arg5[%mul3A_906] : memref<25600xi32, #tpu.memory_space<vmem>> -> memref<200xi32, #tpu.memory_space<vmem>>
      %dma_start3A_908 = arith.constant 0 : i32
      %dma_start3A_909 = arith.constant 0 : i32
      %dma_start3A_910 = tpu.memref_slice %arg3[%dma_start3A_908, %dma_start3A_909] : memref<1000000x128xf32, #tpu.memory_space<hbm>> -> memref<1000000x128xf32, #tpu.memory_space<hbm>>
      tpu.enqueue_indirect_dma source(%dma_start3A_910 : memref<1000000x128xf32, #tpu.memory_space<hbm>>) target(%arg7 : memref<200x128xf32, #tpu.memory_space<vmem>>) offsets(%dma_start3A_907 : memref<200xi32, #tpu.memory_space<vmem>>) semaphore(%arg11 : memref<!tpu.dma_semaphore, #tpu.memory_space<semaphore_mem>>)
      %mul3A_911 = arith.constant 4 : i32
      %mul3A_912 = arith.muli %scan3A_594, %mul3A_911 : i32
      %add3A_913 = arith.constant 2 : i32
      %add3A_914 = arith.addi %mul3A_912, %add3A_913 : i32
      %dma_wait3A_915 = arith.constant 0 : i32
      %dma_wait3A_916 = arith.constant 0 : i32
      %dma_wait3A_917 = tpu.memref_slice %arg3[%dma_wait3A_915, %dma_wait3A_916] : memref<1000000x128xf32, #tpu.memory_space<hbm>> -> memref<200x128xf32, #tpu.memory_space<hbm>>
      %dma_wait3A_918 = arith.constant 0 : i32
      %dma_wait3A_919 = arith.constant 0 : i32
      %dma_wait3A_920 = tpu.memref_slice %arg3[%dma_wait3A_918, %dma_wait3A_919] : memref<1000000x128xf32, #tpu.memory_space<hbm>> -> memref<200x128xf32, #tpu.memory_space<hbm>>
      tpu.wait_dma2 semaphore(%arg12 : memref<!tpu.dma_semaphore, #tpu.memory_space<semaphore_mem>>) src(%dma_wait3A_920 : memref<200x128xf32, #tpu.memory_space<hbm>>) dst(%arg8 : memref<200x128xf32, #tpu.memory_space<vmem>>)
      %mul3A_921 = arith.constant 4 : i32
      %mul3A_922 = arith.muli %add3A_914, %mul3A_921 : i32
      %add3A_923 = arith.addi %mul3A_2, %mul3A_922 : i32
      %add3A_924 = arith.constant 0 : i32
      %add3A_925 = arith.addi %add3A_923, %add3A_924 : i32
      %dma_start3A_926 = arith.constant 0 : i32
      %dma_start3A_927 = arith.constant 0 : i32
      %dma_start3A_928 = tpu.memref_slice %arg8[%dma_start3A_926, %dma_start3A_927] : memref<200x128xf32, #tpu.memory_space<vmem>> -> memref<50x128xf32, #tpu.memory_space<vmem>>
      %dma_start3A_929 = arith.constant 0 : i32
      %dma_start3A_930 = arith.constant 0 : i32
      %dma_start3A_931 = tpu.memref_slice %arg4[%add3A_925, %dma_start3A_929, %dma_start3A_930] : memref<16384x50x128xf32, #tpu.memory_space<hbm>> -> memref<1x50x128xf32, #tpu.memory_space<hbm>>
      %dma_start3A_932 = tpu.memref_squeeze %dma_start3A_931 : memref<1x50x128xf32, #tpu.memory_space<hbm>> -> memref<50x128xf32, #tpu.memory_space<hbm>>
      %dma_start3A_933 = arith.constant 0 : i32
      %dma_start3A_934 = arith.constant 0 : i32
      %dma_start3A_935 = tpu.memref_slice %arg4[%add3A_925, %dma_start3A_933, %dma_start3A_934] : memref<16384x50x128xf32, #tpu.memory_space<hbm>> -> memref<1x50x128xf32, #tpu.memory_space<hbm>>
      %dma_start3A_936 = tpu.memref_squeeze %dma_start3A_935 : memref<1x50x128xf32, #tpu.memory_space<hbm>> -> memref<50x128xf32, #tpu.memory_space<hbm>>
      %dma_start3A_937 = arith.constant 0 : i32
      %dma_start3A_938 = arith.constant 0 : i32
      %dma_start3A_939 = tpu.memref_slice %arg8[%dma_start3A_937, %dma_start3A_938] : memref<200x128xf32, #tpu.memory_space<vmem>> -> memref<50x128xf32, #tpu.memory_space<vmem>>
      tpu.enqueue_dma source(%dma_start3A_939 : memref<50x128xf32, #tpu.memory_space<vmem>>) target(%dma_start3A_936 : memref<50x128xf32, #tpu.memory_space<hbm>>) target_semaphore(%arg16 : memref<!tpu.dma_semaphore, #tpu.memory_space<semaphore_mem>>)
      %mul3A_940 = arith.constant 4 : i32
      %mul3A_941 = arith.muli %add3A_914, %mul3A_940 : i32
      %add3A_942 = arith.addi %mul3A_2, %mul3A_941 : i32
      %add3A_943 = arith.constant 1 : i32
      %add3A_944 = arith.addi %add3A_942, %add3A_943 : i32
      %dma_start3A_945 = arith.constant 50 : i32
      %dma_start3A_946 = arith.constant 0 : i32
      %dma_start3A_947 = tpu.memref_slice %arg8[%dma_start3A_945, %dma_start3A_946] : memref<200x128xf32, #tpu.memory_space<vmem>> -> memref<50x128xf32, #tpu.memory_space<vmem>>
      %dma_start3A_948 = arith.constant 0 : i32
      %dma_start3A_949 = arith.constant 0 : i32
      %dma_start3A_950 = tpu.memref_slice %arg4[%add3A_944, %dma_start3A_948, %dma_start3A_949] : memref<16384x50x128xf32, #tpu.memory_space<hbm>> -> memref<1x50x128xf32, #tpu.memory_space<hbm>>
      %dma_start3A_951 = tpu.memref_squeeze %dma_start3A_950 : memref<1x50x128xf32, #tpu.memory_space<hbm>> -> memref<50x128xf32, #tpu.memory_space<hbm>>
      %dma_start3A_952 = arith.constant 0 : i32
      %dma_start3A_953 = arith.constant 0 : i32
      %dma_start3A_954 = tpu.memref_slice %arg4[%add3A_944, %dma_start3A_952, %dma_start3A_953] : memref<16384x50x128xf32, #tpu.memory_space<hbm>> -> memref<1x50x128xf32, #tpu.memory_space<hbm>>
      %dma_start3A_955 = tpu.memref_squeeze %dma_start3A_954 : memref<1x50x128xf32, #tpu.memory_space<hbm>> -> memref<50x128xf32, #tpu.memory_space<hbm>>
      %dma_start3A_956 = arith.constant 50 : i32
      %dma_start3A_957 = arith.constant 0 : i32
      %dma_start3A_958 = tpu.memref_slice %arg8[%dma_start3A_956, %dma_start3A_957] : memref<200x128xf32, #tpu.memory_space<vmem>> -> memref<50x128xf32, #tpu.memory_space<vmem>>
      tpu.enqueue_dma source(%dma_start3A_958 : memref<50x128xf32, #tpu.memory_space<vmem>>) target(%dma_start3A_955 : memref<50x128xf32, #tpu.memory_space<hbm>>) target_semaphore(%arg16 : memref<!tpu.dma_semaphore, #tpu.memory_space<semaphore_mem>>)
      %mul3A_959 = arith.constant 4 : i32
      %mul3A_960 = arith.muli %add3A_914, %mul3A_959 : i32
      %add3A_961 = arith.addi %mul3A_2, %mul3A_960 : i32
      %add3A_962 = arith.constant 2 : i32
      %add3A_963 = arith.addi %add3A_961, %add3A_962 : i32
      %dma_start3A_964 = arith.constant 100 : i32
      %dma_start3A_965 = arith.constant 0 : i32
      %dma_start3A_966 = tpu.memref_slice %arg8[%dma_start3A_964, %dma_start3A_965] : memref<200x128xf32, #tpu.memory_space<vmem>> -> memref<50x128xf32, #tpu.memory_space<vmem>>
      %dma_start3A_967 = arith.constant 0 : i32
      %dma_start3A_968 = arith.constant 0 : i32
      %dma_start3A_969 = tpu.memref_slice %arg4[%add3A_963, %dma_start3A_967, %dma_start3A_968] : memref<16384x50x128xf32, #tpu.memory_space<hbm>> -> memref<1x50x128xf32, #tpu.memory_space<hbm>>
      %dma_start3A_970 = tpu.memref_squeeze %dma_start3A_969 : memref<1x50x128xf32, #tpu.memory_space<hbm>> -> memref<50x128xf32, #tpu.memory_space<hbm>>
      %dma_start3A_971 = arith.constant 0 : i32
      %dma_start3A_972 = arith.constant 0 : i32
      %dma_start3A_973 = tpu.memref_slice %arg4[%add3A_963, %dma_start3A_971, %dma_start3A_972] : memref<16384x50x128xf32, #tpu.memory_space<hbm>> -> memref<1x50x128xf32, #tpu.memory_space<hbm>>
      %dma_start3A_974 = tpu.memref_squeeze %dma_start3A_973 : memref<1x50x128xf32, #tpu.memory_space<hbm>> -> memref<50x128xf32, #tpu.memory_space<hbm>>
      %dma_start3A_975 = arith.constant 100 : i32
      %dma_start3A_976 = arith.constant 0 : i32
      %dma_start3A_977 = tpu.memref_slice %arg8[%dma_start3A_975, %dma_start3A_976] : memref<200x128xf32, #tpu.memory_space<vmem>> -> memref<50x128xf32, #tpu.memory_space<vmem>>
      tpu.enqueue_dma source(%dma_start3A_977 : memref<50x128xf32, #tpu.memory_space<vmem>>) target(%dma_start3A_974 : memref<50x128xf32, #tpu.memory_space<hbm>>) target_semaphore(%arg16 : memref<!tpu.dma_semaphore, #tpu.memory_space<semaphore_mem>>)
      %mul3A_978 = arith.constant 4 : i32
      %mul3A_979 = arith.muli %add3A_914, %mul3A_978 : i32
      %add3A_980 = arith.addi %mul3A_2, %mul3A_979 : i32
      %add3A_981 = arith.constant 3 : i32
      %add3A_982 = arith.addi %add3A_980, %add3A_981 : i32
      %dma_start3A_983 = arith.constant 150 : i32
      %dma_start3A_984 = arith.constant 0 : i32
      %dma_start3A_985 = tpu.memref_slice %arg8[%dma_start3A_983, %dma_start3A_984] : memref<200x128xf32, #tpu.memory_space<vmem>> -> memref<50x128xf32, #tpu.memory_space<vmem>>
      %dma_start3A_986 = arith.constant 0 : i32
      %dma_start3A_987 = arith.constant 0 : i32
      %dma_start3A_988 = tpu.memref_slice %arg4[%add3A_982, %dma_start3A_986, %dma_start3A_987] : memref<16384x50x128xf32, #tpu.memory_space<hbm>> -> memref<1x50x128xf32, #tpu.memory_space<hbm>>
      %dma_start3A_989 = tpu.memref_squeeze %dma_start3A_988 : memref<1x50x128xf32, #tpu.memory_space<hbm>> -> memref<50x128xf32, #tpu.memory_space<hbm>>
      %dma_start3A_990 = arith.constant 0 : i32
      %dma_start3A_991 = arith.constant 0 : i32
      %dma_start3A_992 = tpu.memref_slice %arg4[%add3A_982, %dma_start3A_990, %dma_start3A_991] : memref<16384x50x128xf32, #tpu.memory_space<hbm>> -> memref<1x50x128xf32, #tpu.memory_space<hbm>>
      %dma_start3A_993 = tpu.memref_squeeze %dma_start3A_992 : memref<1x50x128xf32, #tpu.memory_space<hbm>> -> memref<50x128xf32, #tpu.memory_space<hbm>>
      %dma_start3A_994 = arith.constant 150 : i32
      %dma_start3A_995 = arith.constant 0 : i32
      %dma_start3A_996 = tpu.memref_slice %arg8[%dma_start3A_994, %dma_start3A_995] : memref<200x128xf32, #tpu.memory_space<vmem>> -> memref<50x128xf32, #tpu.memory_space<vmem>>
      tpu.enqueue_dma source(%dma_start3A_996 : memref<50x128xf32, #tpu.memory_space<vmem>>) target(%dma_start3A_993 : memref<50x128xf32, #tpu.memory_space<hbm>>) target_semaphore(%arg16 : memref<!tpu.dma_semaphore, #tpu.memory_space<semaphore_mem>>)
      %add3A_997 = arith.constant 0 : i32
      %add3A_998 = arith.addi %mul3A_2, %add3A_997 : i32
      %dma_wait3A_999 = arith.constant 0 : i32
      %dma_wait3A_1000 = arith.constant 0 : i32
      %dma_wait3A_1001 = tpu.memref_slice %arg8[%dma_wait3A_999, %dma_wait3A_1000] : memref<200x128xf32, #tpu.memory_space<vmem>> -> memref<50x128xf32, #tpu.memory_space<vmem>>
      %dma_wait3A_1002 = arith.constant 0 : i32
      %dma_wait3A_1003 = arith.constant 0 : i32
      %dma_wait3A_1004 = tpu.memref_slice %arg4[%add3A_998, %dma_wait3A_1002, %dma_wait3A_1003] : memref<16384x50x128xf32, #tpu.memory_space<hbm>> -> memref<1x50x128xf32, #tpu.memory_space<hbm>>
      %dma_wait3A_1005 = tpu.memref_squeeze %dma_wait3A_1004 : memref<1x50x128xf32, #tpu.memory_space<hbm>> -> memref<50x128xf32, #tpu.memory_space<hbm>>
      %dma_wait3A_1006 = arith.constant 0 : i32
      %dma_wait3A_1007 = arith.constant 0 : i32
      %dma_wait3A_1008 = tpu.memref_slice %arg4[%add3A_998, %dma_wait3A_1006, %dma_wait3A_1007] : memref<16384x50x128xf32, #tpu.memory_space<hbm>> -> memref<1x50x128xf32, #tpu.memory_space<hbm>>
      %dma_wait3A_1009 = tpu.memref_squeeze %dma_wait3A_1008 : memref<1x50x128xf32, #tpu.memory_space<hbm>> -> memref<50x128xf32, #tpu.memory_space<hbm>>
      %dma_wait3A_1010 = arith.constant 0 : i32
      %dma_wait3A_1011 = arith.constant 0 : i32
      %dma_wait3A_1012 = tpu.memref_slice %arg8[%dma_wait3A_1010, %dma_wait3A_1011] : memref<200x128xf32, #tpu.memory_space<vmem>> -> memref<50x128xf32, #tpu.memory_space<vmem>>
      tpu.wait_dma2 semaphore(%arg16 : memref<!tpu.dma_semaphore, #tpu.memory_space<semaphore_mem>>) src(%dma_wait3A_1012 : memref<50x128xf32, #tpu.memory_space<vmem>>) dst(%dma_wait3A_1009 : memref<50x128xf32, #tpu.memory_space<hbm>>)
      %add3A_1013 = arith.constant 1 : i32
      %add3A_1014 = arith.addi %mul3A_2, %add3A_1013 : i32
      %dma_wait3A_1015 = arith.constant 50 : i32
      %dma_wait3A_1016 = arith.constant 0 : i32
      %dma_wait3A_1017 = tpu.memref_slice %arg8[%dma_wait3A_1015, %dma_wait3A_1016] : memref<200x128xf32, #tpu.memory_space<vmem>> -> memref<50x128xf32, #tpu.memory_space<vmem>>
      %dma_wait3A_1018 = arith.constant 0 : i32
      %dma_wait3A_1019 = arith.constant 0 : i32
      %dma_wait3A_1020 = tpu.memref_slice %arg4[%add3A_1014, %dma_wait3A_1018, %dma_wait3A_1019] : memref<16384x50x128xf32, #tpu.memory_space<hbm>> -> memref<1x50x128xf32, #tpu.memory_space<hbm>>
      %dma_wait3A_1021 = tpu.memref_squeeze %dma_wait3A_1020 : memref<1x50x128xf32, #tpu.memory_space<hbm>> -> memref<50x128xf32, #tpu.memory_space<hbm>>
      %dma_wait3A_1022 = arith.constant 0 : i32
      %dma_wait3A_1023 = arith.constant 0 : i32
      %dma_wait3A_1024 = tpu.memref_slice %arg4[%add3A_1014, %dma_wait3A_1022, %dma_wait3A_1023] : memref<16384x50x128xf32, #tpu.memory_space<hbm>> -> memref<1x50x128xf32, #tpu.memory_space<hbm>>
      %dma_wait3A_1025 = tpu.memref_squeeze %dma_wait3A_1024 : memref<1x50x128xf32, #tpu.memory_space<hbm>> -> memref<50x128xf32, #tpu.memory_space<hbm>>
      %dma_wait3A_1026 = arith.constant 50 : i32
      %dma_wait3A_1027 = arith.constant 0 : i32
      %dma_wait3A_1028 = tpu.memref_slice %arg8[%dma_wait3A_1026, %dma_wait3A_1027] : memref<200x128xf32, #tpu.memory_space<vmem>> -> memref<50x128xf32, #tpu.memory_space<vmem>>
      tpu.wait_dma2 semaphore(%arg16 : memref<!tpu.dma_semaphore, #tpu.memory_space<semaphore_mem>>) src(%dma_wait3A_1028 : memref<50x128xf32, #tpu.memory_space<vmem>>) dst(%dma_wait3A_1025 : memref<50x128xf32, #tpu.memory_space<hbm>>)
      %add3A_1029 = arith.constant 2 : i32
      %add3A_1030 = arith.addi %mul3A_2, %add3A_1029 : i32
      %dma_wait3A_1031 = arith.constant 100 : i32
      %dma_wait3A_1032 = arith.constant 0 : i32
      %dma_wait3A_1033 = tpu.memref_slice %arg8[%dma_wait3A_1031, %dma_wait3A_1032] : memref<200x128xf32, #tpu.memory_space<vmem>> -> memref<50x128xf32, #tpu.memory_space<vmem>>
      %dma_wait3A_1034 = arith.constant 0 : i32
      %dma_wait3A_1035 = arith.constant 0 : i32
      %dma_wait3A_1036 = tpu.memref_slice %arg4[%add3A_1030, %dma_wait3A_1034, %dma_wait3A_1035] : memref<16384x50x128xf32, #tpu.memory_space<hbm>> -> memref<1x50x128xf32, #tpu.memory_space<hbm>>
      %dma_wait3A_1037 = tpu.memref_squeeze %dma_wait3A_1036 : memref<1x50x128xf32, #tpu.memory_space<hbm>> -> memref<50x128xf32, #tpu.memory_space<hbm>>
      %dma_wait3A_1038 = arith.constant 0 : i32
      %dma_wait3A_1039 = arith.constant 0 : i32
      %dma_wait3A_1040 = tpu.memref_slice %arg4[%add3A_1030, %dma_wait3A_1038, %dma_wait3A_1039] : memref<16384x50x128xf32, #tpu.memory_space<hbm>> -> memref<1x50x128xf32, #tpu.memory_space<hbm>>
      %dma_wait3A_1041 = tpu.memref_squeeze %dma_wait3A_1040 : memref<1x50x128xf32, #tpu.memory_space<hbm>> -> memref<50x128xf32, #tpu.memory_space<hbm>>
      %dma_wait3A_1042 = arith.constant 100 : i32
      %dma_wait3A_1043 = arith.constant 0 : i32
      %dma_wait3A_1044 = tpu.memref_slice %arg8[%dma_wait3A_1042, %dma_wait3A_1043] : memref<200x128xf32, #tpu.memory_space<vmem>> -> memref<50x128xf32, #tpu.memory_space<vmem>>
      tpu.wait_dma2 semaphore(%arg16 : memref<!tpu.dma_semaphore, #tpu.memory_space<semaphore_mem>>) src(%dma_wait3A_1044 : memref<50x128xf32, #tpu.memory_space<vmem>>) dst(%dma_wait3A_1041 : memref<50x128xf32, #tpu.memory_space<hbm>>)
      %add3A_1045 = arith.constant 3 : i32
      %add3A_1046 = arith.addi %mul3A_2, %add3A_1045 : i32
      %dma_wait3A_1047 = arith.constant 150 : i32
      %dma_wait3A_1048 = arith.constant 0 : i32
      %dma_wait3A_1049 = tpu.memref_slice %arg8[%dma_wait3A_1047, %dma_wait3A_1048] : memref<200x128xf32, #tpu.memory_space<vmem>> -> memref<50x128xf32, #tpu.memory_space<vmem>>
      %dma_wait3A_1050 = arith.constant 0 : i32
      %dma_wait3A_1051 = arith.constant 0 : i32
      %dma_wait3A_1052 = tpu.memref_slice %arg4[%add3A_1046, %dma_wait3A_1050, %dma_wait3A_1051] : memref<16384x50x128xf32, #tpu.memory_space<hbm>> -> memref<1x50x128xf32, #tpu.memory_space<hbm>>
      %dma_wait3A_1053 = tpu.memref_squeeze %dma_wait3A_1052 : memref<1x50x128xf32, #tpu.memory_space<hbm>> -> memref<50x128xf32, #tpu.memory_space<hbm>>
      %dma_wait3A_1054 = arith.constant 0 : i32
      %dma_wait3A_1055 = arith.constant 0 : i32
      %dma_wait3A_1056 = tpu.memref_slice %arg4[%add3A_1046, %dma_wait3A_1054, %dma_wait3A_1055] : memref<16384x50x128xf32, #tpu.memory_space<hbm>> -> memref<1x50x128xf32, #tpu.memory_space<hbm>>
      %dma_wait3A_1057 = tpu.memref_squeeze %dma_wait3A_1056 : memref<1x50x128xf32, #tpu.memory_space<hbm>> -> memref<50x128xf32, #tpu.memory_space<hbm>>
      %dma_wait3A_1058 = arith.constant 150 : i32
      %dma_wait3A_1059 = arith.constant 0 : i32
      %dma_wait3A_1060 = tpu.memref_slice %arg8[%dma_wait3A_1058, %dma_wait3A_1059] : memref<200x128xf32, #tpu.memory_space<vmem>> -> memref<50x128xf32, #tpu.memory_space<vmem>>
      tpu.wait_dma2 semaphore(%arg16 : memref<!tpu.dma_semaphore, #tpu.memory_space<semaphore_mem>>) src(%dma_wait3A_1060 : memref<50x128xf32, #tpu.memory_space<vmem>>) dst(%dma_wait3A_1057 : memref<50x128xf32, #tpu.memory_space<hbm>>)
      %add3A_1061 = arith.constant 4 : i32
      %add3A_1062 = arith.addi %add3A_914, %add3A_1061 : i32
      %mul3A_1063 = arith.constant 200 : i32
      %mul3A_1064 = arith.muli %add3A_1062, %mul3A_1063 : i32
      %dma_start3A_1065 = tpu.memref_slice %arg5[%mul3A_1064] : memref<25600xi32, #tpu.memory_space<vmem>> -> memref<200xi32, #tpu.memory_space<vmem>>
      %dma_start3A_1066 = arith.constant 0 : i32
      %dma_start3A_1067 = arith.constant 0 : i32
      %dma_start3A_1068 = tpu.memref_slice %arg3[%dma_start3A_1066, %dma_start3A_1067] : memref<1000000x128xf32, #tpu.memory_space<hbm>> -> memref<1000000x128xf32, #tpu.memory_space<hbm>>
      tpu.enqueue_indirect_dma source(%dma_start3A_1068 : memref<1000000x128xf32, #tpu.memory_space<hbm>>) target(%arg8 : memref<200x128xf32, #tpu.memory_space<vmem>>) offsets(%dma_start3A_1065 : memref<200xi32, #tpu.memory_space<vmem>>) semaphore(%arg12 : memref<!tpu.dma_semaphore, #tpu.memory_space<semaphore_mem>>)
      %mul3A_1069 = arith.constant 4 : i32
      %mul3A_1070 = arith.muli %scan3A_594, %mul3A_1069 : i32
      %add3A_1071 = arith.constant 3 : i32
      %add3A_1072 = arith.addi %mul3A_1070, %add3A_1071 : i32
      %dma_wait3A_1073 = arith.constant 0 : i32
      %dma_wait3A_1074 = arith.constant 0 : i32
      %dma_wait3A_1075 = tpu.memref_slice %arg3[%dma_wait3A_1073, %dma_wait3A_1074] : memref<1000000x128xf32, #tpu.memory_space<hbm>> -> memref<200x128xf32, #tpu.memory_space<hbm>>
      %dma_wait3A_1076 = arith.constant 0 : i32
      %dma_wait3A_1077 = arith.constant 0 : i32
      %dma_wait3A_1078 = tpu.memref_slice %arg3[%dma_wait3A_1076, %dma_wait3A_1077] : memref<1000000x128xf32, #tpu.memory_space<hbm>> -> memref<200x128xf32, #tpu.memory_space<hbm>>
      tpu.wait_dma2 semaphore(%arg13 : memref<!tpu.dma_semaphore, #tpu.memory_space<semaphore_mem>>) src(%dma_wait3A_1078 : memref<200x128xf32, #tpu.memory_space<hbm>>) dst(%arg9 : memref<200x128xf32, #tpu.memory_space<vmem>>)
      %mul3A_1079 = arith.constant 4 : i32
      %mul3A_1080 = arith.muli %add3A_1072, %mul3A_1079 : i32
      %add3A_1081 = arith.addi %mul3A_2, %mul3A_1080 : i32
      %add3A_1082 = arith.constant 0 : i32
      %add3A_1083 = arith.addi %add3A_1081, %add3A_1082 : i32
      %dma_start3A_1084 = arith.constant 0 : i32
      %dma_start3A_1085 = arith.constant 0 : i32
      %dma_start3A_1086 = tpu.memref_slice %arg9[%dma_start3A_1084, %dma_start3A_1085] : memref<200x128xf32, #tpu.memory_space<vmem>> -> memref<50x128xf32, #tpu.memory_space<vmem>>
      %dma_start3A_1087 = arith.constant 0 : i32
      %dma_start3A_1088 = arith.constant 0 : i32
      %dma_start3A_1089 = tpu.memref_slice %arg4[%add3A_1083, %dma_start3A_1087, %dma_start3A_1088] : memref<16384x50x128xf32, #tpu.memory_space<hbm>> -> memref<1x50x128xf32, #tpu.memory_space<hbm>>
      %dma_start3A_1090 = tpu.memref_squeeze %dma_start3A_1089 : memref<1x50x128xf32, #tpu.memory_space<hbm>> -> memref<50x128xf32, #tpu.memory_space<hbm>>
      %dma_start3A_1091 = arith.constant 0 : i32
      %dma_start3A_1092 = arith.constant 0 : i32
      %dma_start3A_1093 = tpu.memref_slice %arg4[%add3A_1083, %dma_start3A_1091, %dma_start3A_1092] : memref<16384x50x128xf32, #tpu.memory_space<hbm>> -> memref<1x50x128xf32, #tpu.memory_space<hbm>>
      %dma_start3A_1094 = tpu.memref_squeeze %dma_start3A_1093 : memref<1x50x128xf32, #tpu.memory_space<hbm>> -> memref<50x128xf32, #tpu.memory_space<hbm>>
      %dma_start3A_1095 = arith.constant 0 : i32
      %dma_start3A_1096 = arith.constant 0 : i32
      %dma_start3A_1097 = tpu.memref_slice %arg9[%dma_start3A_1095, %dma_start3A_1096] : memref<200x128xf32, #tpu.memory_space<vmem>> -> memref<50x128xf32, #tpu.memory_space<vmem>>
      tpu.enqueue_dma source(%dma_start3A_1097 : memref<50x128xf32, #tpu.memory_space<vmem>>) target(%dma_start3A_1094 : memref<50x128xf32, #tpu.memory_space<hbm>>) target_semaphore(%arg17 : memref<!tpu.dma_semaphore, #tpu.memory_space<semaphore_mem>>)
      %mul3A_1098 = arith.constant 4 : i32
      %mul3A_1099 = arith.muli %add3A_1072, %mul3A_1098 : i32
      %add3A_1100 = arith.addi %mul3A_2, %mul3A_1099 : i32
      %add3A_1101 = arith.constant 1 : i32
      %add3A_1102 = arith.addi %add3A_1100, %add3A_1101 : i32
      %dma_start3A_1103 = arith.constant 50 : i32
      %dma_start3A_1104 = arith.constant 0 : i32
      %dma_start3A_1105 = tpu.memref_slice %arg9[%dma_start3A_1103, %dma_start3A_1104] : memref<200x128xf32, #tpu.memory_space<vmem>> -> memref<50x128xf32, #tpu.memory_space<vmem>>
      %dma_start3A_1106 = arith.constant 0 : i32
      %dma_start3A_1107 = arith.constant 0 : i32
      %dma_start3A_1108 = tpu.memref_slice %arg4[%add3A_1102, %dma_start3A_1106, %dma_start3A_1107] : memref<16384x50x128xf32, #tpu.memory_space<hbm>> -> memref<1x50x128xf32, #tpu.memory_space<hbm>>
      %dma_start3A_1109 = tpu.memref_squeeze %dma_start3A_1108 : memref<1x50x128xf32, #tpu.memory_space<hbm>> -> memref<50x128xf32, #tpu.memory_space<hbm>>
      %dma_start3A_1110 = arith.constant 0 : i32
      %dma_start3A_1111 = arith.constant 0 : i32
      %dma_start3A_1112 = tpu.memref_slice %arg4[%add3A_1102, %dma_start3A_1110, %dma_start3A_1111] : memref<16384x50x128xf32, #tpu.memory_space<hbm>> -> memref<1x50x128xf32, #tpu.memory_space<hbm>>
      %dma_start3A_1113 = tpu.memref_squeeze %dma_start3A_1112 : memref<1x50x128xf32, #tpu.memory_space<hbm>> -> memref<50x128xf32, #tpu.memory_space<hbm>>
      %dma_start3A_1114 = arith.constant 50 : i32
      %dma_start3A_1115 = arith.constant 0 : i32
      %dma_start3A_1116 = tpu.memref_slice %arg9[%dma_start3A_1114, %dma_start3A_1115] : memref<200x128xf32, #tpu.memory_space<vmem>> -> memref<50x128xf32, #tpu.memory_space<vmem>>
      tpu.enqueue_dma source(%dma_start3A_1116 : memref<50x128xf32, #tpu.memory_space<vmem>>) target(%dma_start3A_1113 : memref<50x128xf32, #tpu.memory_space<hbm>>) target_semaphore(%arg17 : memref<!tpu.dma_semaphore, #tpu.memory_space<semaphore_mem>>)
      %mul3A_1117 = arith.constant 4 : i32
      %mul3A_1118 = arith.muli %add3A_1072, %mul3A_1117 : i32
      %add3A_1119 = arith.addi %mul3A_2, %mul3A_1118 : i32
      %add3A_1120 = arith.constant 2 : i32
      %add3A_1121 = arith.addi %add3A_1119, %add3A_1120 : i32
      %dma_start3A_1122 = arith.constant 100 : i32
      %dma_start3A_1123 = arith.constant 0 : i32
      %dma_start3A_1124 = tpu.memref_slice %arg9[%dma_start3A_1122, %dma_start3A_1123] : memref<200x128xf32, #tpu.memory_space<vmem>> -> memref<50x128xf32, #tpu.memory_space<vmem>>
      %dma_start3A_1125 = arith.constant 0 : i32
      %dma_start3A_1126 = arith.constant 0 : i32
      %dma_start3A_1127 = tpu.memref_slice %arg4[%add3A_1121, %dma_start3A_1125, %dma_start3A_1126] : memref<16384x50x128xf32, #tpu.memory_space<hbm>> -> memref<1x50x128xf32, #tpu.memory_space<hbm>>
      %dma_start3A_1128 = tpu.memref_squeeze %dma_start3A_1127 : memref<1x50x128xf32, #tpu.memory_space<hbm>> -> memref<50x128xf32, #tpu.memory_space<hbm>>
      %dma_start3A_1129 = arith.constant 0 : i32
      %dma_start3A_1130 = arith.constant 0 : i32
      %dma_start3A_1131 = tpu.memref_slice %arg4[%add3A_1121, %dma_start3A_1129, %dma_start3A_1130] : memref<16384x50x128xf32, #tpu.memory_space<hbm>> -> memref<1x50x128xf32, #tpu.memory_space<hbm>>
      %dma_start3A_1132 = tpu.memref_squeeze %dma_start3A_1131 : memref<1x50x128xf32, #tpu.memory_space<hbm>> -> memref<50x128xf32, #tpu.memory_space<hbm>>
      %dma_start3A_1133 = arith.constant 100 : i32
      %dma_start3A_1134 = arith.constant 0 : i32
      %dma_start3A_1135 = tpu.memref_slice %arg9[%dma_start3A_1133, %dma_start3A_1134] : memref<200x128xf32, #tpu.memory_space<vmem>> -> memref<50x128xf32, #tpu.memory_space<vmem>>
      tpu.enqueue_dma source(%dma_start3A_1135 : memref<50x128xf32, #tpu.memory_space<vmem>>) target(%dma_start3A_1132 : memref<50x128xf32, #tpu.memory_space<hbm>>) target_semaphore(%arg17 : memref<!tpu.dma_semaphore, #tpu.memory_space<semaphore_mem>>)
      %mul3A_1136 = arith.constant 4 : i32
      %mul3A_1137 = arith.muli %add3A_1072, %mul3A_1136 : i32
      %add3A_1138 = arith.addi %mul3A_2, %mul3A_1137 : i32
      %add3A_1139 = arith.constant 3 : i32
      %add3A_1140 = arith.addi %add3A_1138, %add3A_1139 : i32
      %dma_start3A_1141 = arith.constant 150 : i32
      %dma_start3A_1142 = arith.constant 0 : i32
      %dma_start3A_1143 = tpu.memref_slice %arg9[%dma_start3A_1141, %dma_start3A_1142] : memref<200x128xf32, #tpu.memory_space<vmem>> -> memref<50x128xf32, #tpu.memory_space<vmem>>
      %dma_start3A_1144 = arith.constant 0 : i32
      %dma_start3A_1145 = arith.constant 0 : i32
      %dma_start3A_1146 = tpu.memref_slice %arg4[%add3A_1140, %dma_start3A_1144, %dma_start3A_1145] : memref<16384x50x128xf32, #tpu.memory_space<hbm>> -> memref<1x50x128xf32, #tpu.memory_space<hbm>>
      %dma_start3A_1147 = tpu.memref_squeeze %dma_start3A_1146 : memref<1x50x128xf32, #tpu.memory_space<hbm>> -> memref<50x128xf32, #tpu.memory_space<hbm>>
      %dma_start3A_1148 = arith.constant 0 : i32
      %dma_start3A_1149 = arith.constant 0 : i32
      %dma_start3A_1150 = tpu.memref_slice %arg4[%add3A_1140, %dma_start3A_1148, %dma_start3A_1149] : memref<16384x50x128xf32, #tpu.memory_space<hbm>> -> memref<1x50x128xf32, #tpu.memory_space<hbm>>
      %dma_start3A_1151 = tpu.memref_squeeze %dma_start3A_1150 : memref<1x50x128xf32, #tpu.memory_space<hbm>> -> memref<50x128xf32, #tpu.memory_space<hbm>>
      %dma_start3A_1152 = arith.constant 150 : i32
      %dma_start3A_1153 = arith.constant 0 : i32
      %dma_start3A_1154 = tpu.memref_slice %arg9[%dma_start3A_1152, %dma_start3A_1153] : memref<200x128xf32, #tpu.memory_space<vmem>> -> memref<50x128xf32, #tpu.memory_space<vmem>>
      tpu.enqueue_dma source(%dma_start3A_1154 : memref<50x128xf32, #tpu.memory_space<vmem>>) target(%dma_start3A_1151 : memref<50x128xf32, #tpu.memory_space<hbm>>) target_semaphore(%arg17 : memref<!tpu.dma_semaphore, #tpu.memory_space<semaphore_mem>>)
      %add3A_1155 = arith.constant 0 : i32
      %add3A_1156 = arith.addi %mul3A_2, %add3A_1155 : i32
      %dma_wait3A_1157 = arith.constant 0 : i32
      %dma_wait3A_1158 = arith.constant 0 : i32
      %dma_wait3A_1159 = tpu.memref_slice %arg9[%dma_wait3A_1157, %dma_wait3A_1158] : memref<200x128xf32, #tpu.memory_space<vmem>> -> memref<50x128xf32, #tpu.memory_space<vmem>>
      %dma_wait3A_1160 = arith.constant 0 : i32
      %dma_wait3A_1161 = arith.constant 0 : i32
      %dma_wait3A_1162 = tpu.memref_slice %arg4[%add3A_1156, %dma_wait3A_1160, %dma_wait3A_1161] : memref<16384x50x128xf32, #tpu.memory_space<hbm>> -> memref<1x50x128xf32, #tpu.memory_space<hbm>>
      %dma_wait3A_1163 = tpu.memref_squeeze %dma_wait3A_1162 : memref<1x50x128xf32, #tpu.memory_space<hbm>> -> memref<50x128xf32, #tpu.memory_space<hbm>>
      %dma_wait3A_1164 = arith.constant 0 : i32
      %dma_wait3A_1165 = arith.constant 0 : i32
      %dma_wait3A_1166 = tpu.memref_slice %arg4[%add3A_1156, %dma_wait3A_1164, %dma_wait3A_1165] : memref<16384x50x128xf32, #tpu.memory_space<hbm>> -> memref<1x50x128xf32, #tpu.memory_space<hbm>>
      %dma_wait3A_1167 = tpu.memref_squeeze %dma_wait3A_1166 : memref<1x50x128xf32, #tpu.memory_space<hbm>> -> memref<50x128xf32, #tpu.memory_space<hbm>>
      %dma_wait3A_1168 = arith.constant 0 : i32
      %dma_wait3A_1169 = arith.constant 0 : i32
      %dma_wait3A_1170 = tpu.memref_slice %arg9[%dma_wait3A_1168, %dma_wait3A_1169] : memref<200x128xf32, #tpu.memory_space<vmem>> -> memref<50x128xf32, #tpu.memory_space<vmem>>
      tpu.wait_dma2 semaphore(%arg17 : memref<!tpu.dma_semaphore, #tpu.memory_space<semaphore_mem>>) src(%dma_wait3A_1170 : memref<50x128xf32, #tpu.memory_space<vmem>>) dst(%dma_wait3A_1167 : memref<50x128xf32, #tpu.memory_space<hbm>>)
      %add3A_1171 = arith.constant 1 : i32
      %add3A_1172 = arith.addi %mul3A_2, %add3A_1171 : i32
      %dma_wait3A_1173 = arith.constant 50 : i32
      %dma_wait3A_1174 = arith.constant 0 : i32
      %dma_wait3A_1175 = tpu.memref_slice %arg9[%dma_wait3A_1173, %dma_wait3A_1174] : memref<200x128xf32, #tpu.memory_space<vmem>> -> memref<50x128xf32, #tpu.memory_space<vmem>>
      %dma_wait3A_1176 = arith.constant 0 : i32
      %dma_wait3A_1177 = arith.constant 0 : i32
      %dma_wait3A_1178 = tpu.memref_slice %arg4[%add3A_1172, %dma_wait3A_1176, %dma_wait3A_1177] : memref<16384x50x128xf32, #tpu.memory_space<hbm>> -> memref<1x50x128xf32, #tpu.memory_space<hbm>>
      %dma_wait3A_1179 = tpu.memref_squeeze %dma_wait3A_1178 : memref<1x50x128xf32, #tpu.memory_space<hbm>> -> memref<50x128xf32, #tpu.memory_space<hbm>>
      %dma_wait3A_1180 = arith.constant 0 : i32
      %dma_wait3A_1181 = arith.constant 0 : i32
      %dma_wait3A_1182 = tpu.memref_slice %arg4[%add3A_1172, %dma_wait3A_1180, %dma_wait3A_1181] : memref<16384x50x128xf32, #tpu.memory_space<hbm>> -> memref<1x50x128xf32, #tpu.memory_space<hbm>>
      %dma_wait3A_1183 = tpu.memref_squeeze %dma_wait3A_1182 : memref<1x50x128xf32, #tpu.memory_space<hbm>> -> memref<50x128xf32, #tpu.memory_space<hbm>>
      %dma_wait3A_1184 = arith.constant 50 : i32
      %dma_wait3A_1185 = arith.constant 0 : i32
      %dma_wait3A_1186 = tpu.memref_slice %arg9[%dma_wait3A_1184, %dma_wait3A_1185] : memref<200x128xf32, #tpu.memory_space<vmem>> -> memref<50x128xf32, #tpu.memory_space<vmem>>
      tpu.wait_dma2 semaphore(%arg17 : memref<!tpu.dma_semaphore, #tpu.memory_space<semaphore_mem>>) src(%dma_wait3A_1186 : memref<50x128xf32, #tpu.memory_space<vmem>>) dst(%dma_wait3A_1183 : memref<50x128xf32, #tpu.memory_space<hbm>>)
      %add3A_1187 = arith.constant 2 : i32
      %add3A_1188 = arith.addi %mul3A_2, %add3A_1187 : i32
      %dma_wait3A_1189 = arith.constant 100 : i32
      %dma_wait3A_1190 = arith.constant 0 : i32
      %dma_wait3A_1191 = tpu.memref_slice %arg9[%dma_wait3A_1189, %dma_wait3A_1190] : memref<200x128xf32, #tpu.memory_space<vmem>> -> memref<50x128xf32, #tpu.memory_space<vmem>>
      %dma_wait3A_1192 = arith.constant 0 : i32
      %dma_wait3A_1193 = arith.constant 0 : i32
      %dma_wait3A_1194 = tpu.memref_slice %arg4[%add3A_1188, %dma_wait3A_1192, %dma_wait3A_1193] : memref<16384x50x128xf32, #tpu.memory_space<hbm>> -> memref<1x50x128xf32, #tpu.memory_space<hbm>>
      %dma_wait3A_1195 = tpu.memref_squeeze %dma_wait3A_1194 : memref<1x50x128xf32, #tpu.memory_space<hbm>> -> memref<50x128xf32, #tpu.memory_space<hbm>>
      %dma_wait3A_1196 = arith.constant 0 : i32
      %dma_wait3A_1197 = arith.constant 0 : i32
      %dma_wait3A_1198 = tpu.memref_slice %arg4[%add3A_1188, %dma_wait3A_1196, %dma_wait3A_1197] : memref<16384x50x128xf32, #tpu.memory_space<hbm>> -> memref<1x50x128xf32, #tpu.memory_space<hbm>>
      %dma_wait3A_1199 = tpu.memref_squeeze %dma_wait3A_1198 : memref<1x50x128xf32, #tpu.memory_space<hbm>> -> memref<50x128xf32, #tpu.memory_space<hbm>>
      %dma_wait3A_1200 = arith.constant 100 : i32
      %dma_wait3A_1201 = arith.constant 0 : i32
      %dma_wait3A_1202 = tpu.memref_slice %arg9[%dma_wait3A_1200, %dma_wait3A_1201] : memref<200x128xf32, #tpu.memory_space<vmem>> -> memref<50x128xf32, #tpu.memory_space<vmem>>
      tpu.wait_dma2 semaphore(%arg17 : memref<!tpu.dma_semaphore, #tpu.memory_space<semaphore_mem>>) src(%dma_wait3A_1202 : memref<50x128xf32, #tpu.memory_space<vmem>>) dst(%dma_wait3A_1199 : memref<50x128xf32, #tpu.memory_space<hbm>>)
      %add3A_1203 = arith.constant 3 : i32
      %add3A_1204 = arith.addi %mul3A_2, %add3A_1203 : i32
      %dma_wait3A_1205 = arith.constant 150 : i32
      %dma_wait3A_1206 = arith.constant 0 : i32
      %dma_wait3A_1207 = tpu.memref_slice %arg9[%dma_wait3A_1205, %dma_wait3A_1206] : memref<200x128xf32, #tpu.memory_space<vmem>> -> memref<50x128xf32, #tpu.memory_space<vmem>>
      %dma_wait3A_1208 = arith.constant 0 : i32
      %dma_wait3A_1209 = arith.constant 0 : i32
      %dma_wait3A_1210 = tpu.memref_slice %arg4[%add3A_1204, %dma_wait3A_1208, %dma_wait3A_1209] : memref<16384x50x128xf32, #tpu.memory_space<hbm>> -> memref<1x50x128xf32, #tpu.memory_space<hbm>>
      %dma_wait3A_1211 = tpu.memref_squeeze %dma_wait3A_1210 : memref<1x50x128xf32, #tpu.memory_space<hbm>> -> memref<50x128xf32, #tpu.memory_space<hbm>>
      %dma_wait3A_1212 = arith.constant 0 : i32
      %dma_wait3A_1213 = arith.constant 0 : i32
      %dma_wait3A_1214 = tpu.memref_slice %arg4[%add3A_1204, %dma_wait3A_1212, %dma_wait3A_1213] : memref<16384x50x128xf32, #tpu.memory_space<hbm>> -> memref<1x50x128xf32, #tpu.memory_space<hbm>>
      %dma_wait3A_1215 = tpu.memref_squeeze %dma_wait3A_1214 : memref<1x50x128xf32, #tpu.memory_space<hbm>> -> memref<50x128xf32, #tpu.memory_space<hbm>>
      %dma_wait3A_1216 = arith.constant 150 : i32
      %dma_wait3A_1217 = arith.constant 0 : i32
      %dma_wait3A_1218 = tpu.memref_slice %arg9[%dma_wait3A_1216, %dma_wait3A_1217] : memref<200x128xf32, #tpu.memory_space<vmem>> -> memref<50x128xf32, #tpu.memory_space<vmem>>
      tpu.wait_dma2 semaphore(%arg17 : memref<!tpu.dma_semaphore, #tpu.memory_space<semaphore_mem>>) src(%dma_wait3A_1218 : memref<50x128xf32, #tpu.memory_space<vmem>>) dst(%dma_wait3A_1215 : memref<50x128xf32, #tpu.memory_space<hbm>>)
      %add3A_1219 = arith.constant 4 : i32
      %add3A_1220 = arith.addi %add3A_1072, %add3A_1219 : i32
      %mul3A_1221 = arith.constant 200 : i32
      %mul3A_1222 = arith.muli %add3A_1220, %mul3A_1221 : i32
      %dma_start3A_1223 = tpu.memref_slice %arg5[%mul3A_1222] : memref<25600xi32, #tpu.memory_space<vmem>> -> memref<200xi32, #tpu.memory_space<vmem>>
      %dma_start3A_1224 = arith.constant 0 : i32
      %dma_start3A_1225 = arith.constant 0 : i32
      %dma_start3A_1226 = tpu.memref_slice %arg3[%dma_start3A_1224, %dma_start3A_1225] : memref<1000000x128xf32, #tpu.memory_space<hbm>> -> memref<1000000x128xf32, #tpu.memory_space<hbm>>
      tpu.enqueue_indirect_dma source(%dma_start3A_1226 : memref<1000000x128xf32, #tpu.memory_space<hbm>>) target(%arg9 : memref<200x128xf32, #tpu.memory_space<vmem>>) offsets(%dma_start3A_1223 : memref<200xi32, #tpu.memory_space<vmem>>) semaphore(%arg13 : memref<!tpu.dma_semaphore, #tpu.memory_space<semaphore_mem>>)
    }
    %scan3A_26 = arith.constant 31 : i32
    %dma_wait3A = arith.constant 0 : i32
    %dma_wait3A_27 = arith.constant 0 : i32
    %dma_wait3A_28 = tpu.memref_slice %arg3[%dma_wait3A, %dma_wait3A_27] : memref<1000000x128xf32, #tpu.memory_space<hbm>> -> memref<200x128xf32, #tpu.memory_space<hbm>>
    %dma_wait3A_29 = arith.constant 0 : i32
    %dma_wait3A_30 = arith.constant 0 : i32
    %dma_wait3A_31 = tpu.memref_slice %arg3[%dma_wait3A_29, %dma_wait3A_30] : memref<1000000x128xf32, #tpu.memory_space<hbm>> -> memref<200x128xf32, #tpu.memory_space<hbm>>
    tpu.wait_dma2 semaphore(%arg10 : memref<!tpu.dma_semaphore, #tpu.memory_space<semaphore_mem>>) src(%dma_wait3A_31 : memref<200x128xf32, #tpu.memory_space<hbm>>) dst(%arg6 : memref<200x128xf32, #tpu.memory_space<vmem>>)
    %add3A_32 = arith.constant 496 : i32
    %add3A_33 = arith.addi %mul3A_2, %add3A_32 : i32
    %add3A_34 = arith.constant 0 : i32
    %add3A_35 = arith.addi %add3A_33, %add3A_34 : i32
    %dma_start3A_36 = arith.constant 0 : i32
    %dma_start3A_37 = arith.constant 0 : i32
    %dma_start3A_38 = tpu.memref_slice %arg6[%dma_start3A_36, %dma_start3A_37] : memref<200x128xf32, #tpu.memory_space<vmem>> -> memref<50x128xf32, #tpu.memory_space<vmem>>
    %dma_start3A_39 = arith.constant 0 : i32
    %dma_start3A_40 = arith.constant 0 : i32
    %dma_start3A_41 = tpu.memref_slice %arg4[%add3A_35, %dma_start3A_39, %dma_start3A_40] : memref<16384x50x128xf32, #tpu.memory_space<hbm>> -> memref<1x50x128xf32, #tpu.memory_space<hbm>>
    %dma_start3A_42 = tpu.memref_squeeze %dma_start3A_41 : memref<1x50x128xf32, #tpu.memory_space<hbm>> -> memref<50x128xf32, #tpu.memory_space<hbm>>
    %dma_start3A_43 = arith.constant 0 : i32
    %dma_start3A_44 = arith.constant 0 : i32
    %dma_start3A_45 = tpu.memref_slice %arg4[%add3A_35, %dma_start3A_43, %dma_start3A_44] : memref<16384x50x128xf32, #tpu.memory_space<hbm>> -> memref<1x50x128xf32, #tpu.memory_space<hbm>>
    %dma_start3A_46 = tpu.memref_squeeze %dma_start3A_45 : memref<1x50x128xf32, #tpu.memory_space<hbm>> -> memref<50x128xf32, #tpu.memory_space<hbm>>
    %dma_start3A_47 = arith.constant 0 : i32
    %dma_start3A_48 = arith.constant 0 : i32
    %dma_start3A_49 = tpu.memref_slice %arg6[%dma_start3A_47, %dma_start3A_48] : memref<200x128xf32, #tpu.memory_space<vmem>> -> memref<50x128xf32, #tpu.memory_space<vmem>>
    tpu.enqueue_dma source(%dma_start3A_49 : memref<50x128xf32, #tpu.memory_space<vmem>>) target(%dma_start3A_46 : memref<50x128xf32, #tpu.memory_space<hbm>>) target_semaphore(%arg14 : memref<!tpu.dma_semaphore, #tpu.memory_space<semaphore_mem>>)
    %add3A_50 = arith.constant 496 : i32
    %add3A_51 = arith.addi %mul3A_2, %add3A_50 : i32
    %add3A_52 = arith.constant 1 : i32
    %add3A_53 = arith.addi %add3A_51, %add3A_52 : i32
    %dma_start3A_54 = arith.constant 50 : i32
    %dma_start3A_55 = arith.constant 0 : i32
    %dma_start3A_56 = tpu.memref_slice %arg6[%dma_start3A_54, %dma_start3A_55] : memref<200x128xf32, #tpu.memory_space<vmem>> -> memref<50x128xf32, #tpu.memory_space<vmem>>
    %dma_start3A_57 = arith.constant 0 : i32
    %dma_start3A_58 = arith.constant 0 : i32
    %dma_start3A_59 = tpu.memref_slice %arg4[%add3A_53, %dma_start3A_57, %dma_start3A_58] : memref<16384x50x128xf32, #tpu.memory_space<hbm>> -> memref<1x50x128xf32, #tpu.memory_space<hbm>>
    %dma_start3A_60 = tpu.memref_squeeze %dma_start3A_59 : memref<1x50x128xf32, #tpu.memory_space<hbm>> -> memref<50x128xf32, #tpu.memory_space<hbm>>
    %dma_start3A_61 = arith.constant 0 : i32
    %dma_start3A_62 = arith.constant 0 : i32
    %dma_start3A_63 = tpu.memref_slice %arg4[%add3A_53, %dma_start3A_61, %dma_start3A_62] : memref<16384x50x128xf32, #tpu.memory_space<hbm>> -> memref<1x50x128xf32, #tpu.memory_space<hbm>>
    %dma_start3A_64 = tpu.memref_squeeze %dma_start3A_63 : memref<1x50x128xf32, #tpu.memory_space<hbm>> -> memref<50x128xf32, #tpu.memory_space<hbm>>
    %dma_start3A_65 = arith.constant 50 : i32
    %dma_start3A_66 = arith.constant 0 : i32
    %dma_start3A_67 = tpu.memref_slice %arg6[%dma_start3A_65, %dma_start3A_66] : memref<200x128xf32, #tpu.memory_space<vmem>> -> memref<50x128xf32, #tpu.memory_space<vmem>>
    tpu.enqueue_dma source(%dma_start3A_67 : memref<50x128xf32, #tpu.memory_space<vmem>>) target(%dma_start3A_64 : memref<50x128xf32, #tpu.memory_space<hbm>>) target_semaphore(%arg14 : memref<!tpu.dma_semaphore, #tpu.memory_space<semaphore_mem>>)
    %add3A_68 = arith.constant 496 : i32
    %add3A_69 = arith.addi %mul3A_2, %add3A_68 : i32
    %add3A_70 = arith.constant 2 : i32
    %add3A_71 = arith.addi %add3A_69, %add3A_70 : i32
    %dma_start3A_72 = arith.constant 100 : i32
    %dma_start3A_73 = arith.constant 0 : i32
    %dma_start3A_74 = tpu.memref_slice %arg6[%dma_start3A_72, %dma_start3A_73] : memref<200x128xf32, #tpu.memory_space<vmem>> -> memref<50x128xf32, #tpu.memory_space<vmem>>
    %dma_start3A_75 = arith.constant 0 : i32
    %dma_start3A_76 = arith.constant 0 : i32
    %dma_start3A_77 = tpu.memref_slice %arg4[%add3A_71, %dma_start3A_75, %dma_start3A_76] : memref<16384x50x128xf32, #tpu.memory_space<hbm>> -> memref<1x50x128xf32, #tpu.memory_space<hbm>>
    %dma_start3A_78 = tpu.memref_squeeze %dma_start3A_77 : memref<1x50x128xf32, #tpu.memory_space<hbm>> -> memref<50x128xf32, #tpu.memory_space<hbm>>
    %dma_start3A_79 = arith.constant 0 : i32
    %dma_start3A_80 = arith.constant 0 : i32
    %dma_start3A_81 = tpu.memref_slice %arg4[%add3A_71, %dma_start3A_79, %dma_start3A_80] : memref<16384x50x128xf32, #tpu.memory_space<hbm>> -> memref<1x50x128xf32, #tpu.memory_space<hbm>>
    %dma_start3A_82 = tpu.memref_squeeze %dma_start3A_81 : memref<1x50x128xf32, #tpu.memory_space<hbm>> -> memref<50x128xf32, #tpu.memory_space<hbm>>
    %dma_start3A_83 = arith.constant 100 : i32
    %dma_start3A_84 = arith.constant 0 : i32
    %dma_start3A_85 = tpu.memref_slice %arg6[%dma_start3A_83, %dma_start3A_84] : memref<200x128xf32, #tpu.memory_space<vmem>> -> memref<50x128xf32, #tpu.memory_space<vmem>>
    tpu.enqueue_dma source(%dma_start3A_85 : memref<50x128xf32, #tpu.memory_space<vmem>>) target(%dma_start3A_82 : memref<50x128xf32, #tpu.memory_space<hbm>>) target_semaphore(%arg14 : memref<!tpu.dma_semaphore, #tpu.memory_space<semaphore_mem>>)
    %add3A_86 = arith.constant 496 : i32
    %add3A_87 = arith.addi %mul3A_2, %add3A_86 : i32
    %add3A_88 = arith.constant 3 : i32
    %add3A_89 = arith.addi %add3A_87, %add3A_88 : i32
    %dma_start3A_90 = arith.constant 150 : i32
    %dma_start3A_91 = arith.constant 0 : i32
    %dma_start3A_92 = tpu.memref_slice %arg6[%dma_start3A_90, %dma_start3A_91] : memref<200x128xf32, #tpu.memory_space<vmem>> -> memref<50x128xf32, #tpu.memory_space<vmem>>
    %dma_start3A_93 = arith.constant 0 : i32
    %dma_start3A_94 = arith.constant 0 : i32
    %dma_start3A_95 = tpu.memref_slice %arg4[%add3A_89, %dma_start3A_93, %dma_start3A_94] : memref<16384x50x128xf32, #tpu.memory_space<hbm>> -> memref<1x50x128xf32, #tpu.memory_space<hbm>>
    %dma_start3A_96 = tpu.memref_squeeze %dma_start3A_95 : memref<1x50x128xf32, #tpu.memory_space<hbm>> -> memref<50x128xf32, #tpu.memory_space<hbm>>
    %dma_start3A_97 = arith.constant 0 : i32
    %dma_start3A_98 = arith.constant 0 : i32
    %dma_start3A_99 = tpu.memref_slice %arg4[%add3A_89, %dma_start3A_97, %dma_start3A_98] : memref<16384x50x128xf32, #tpu.memory_space<hbm>> -> memref<1x50x128xf32, #tpu.memory_space<hbm>>
    %dma_start3A_100 = tpu.memref_squeeze %dma_start3A_99 : memref<1x50x128xf32, #tpu.memory_space<hbm>> -> memref<50x128xf32, #tpu.memory_space<hbm>>
    %dma_start3A_101 = arith.constant 150 : i32
    %dma_start3A_102 = arith.constant 0 : i32
    %dma_start3A_103 = tpu.memref_slice %arg6[%dma_start3A_101, %dma_start3A_102] : memref<200x128xf32, #tpu.memory_space<vmem>> -> memref<50x128xf32, #tpu.memory_space<vmem>>
    tpu.enqueue_dma source(%dma_start3A_103 : memref<50x128xf32, #tpu.memory_space<vmem>>) target(%dma_start3A_100 : memref<50x128xf32, #tpu.memory_space<hbm>>) target_semaphore(%arg14 : memref<!tpu.dma_semaphore, #tpu.memory_space<semaphore_mem>>)
    %dma_wait3A_104 = arith.constant 0 : i32
    %dma_wait3A_105 = arith.constant 0 : i32
    %dma_wait3A_106 = tpu.memref_slice %arg3[%dma_wait3A_104, %dma_wait3A_105] : memref<1000000x128xf32, #tpu.memory_space<hbm>> -> memref<200x128xf32, #tpu.memory_space<hbm>>
    %dma_wait3A_107 = arith.constant 0 : i32
    %dma_wait3A_108 = arith.constant 0 : i32
    %dma_wait3A_109 = tpu.memref_slice %arg3[%dma_wait3A_107, %dma_wait3A_108] : memref<1000000x128xf32, #tpu.memory_space<hbm>> -> memref<200x128xf32, #tpu.memory_space<hbm>>
    tpu.wait_dma2 semaphore(%arg11 : memref<!tpu.dma_semaphore, #tpu.memory_space<semaphore_mem>>) src(%dma_wait3A_109 : memref<200x128xf32, #tpu.memory_space<hbm>>) dst(%arg7 : memref<200x128xf32, #tpu.memory_space<vmem>>)
    %add3A_110 = arith.constant 500 : i32
    %add3A_111 = arith.addi %mul3A_2, %add3A_110 : i32
    %add3A_112 = arith.constant 0 : i32
    %add3A_113 = arith.addi %add3A_111, %add3A_112 : i32
    %dma_start3A_114 = arith.constant 0 : i32
    %dma_start3A_115 = arith.constant 0 : i32
    %dma_start3A_116 = tpu.memref_slice %arg7[%dma_start3A_114, %dma_start3A_115] : memref<200x128xf32, #tpu.memory_space<vmem>> -> memref<50x128xf32, #tpu.memory_space<vmem>>
    %dma_start3A_117 = arith.constant 0 : i32
    %dma_start3A_118 = arith.constant 0 : i32
    %dma_start3A_119 = tpu.memref_slice %arg4[%add3A_113, %dma_start3A_117, %dma_start3A_118] : memref<16384x50x128xf32, #tpu.memory_space<hbm>> -> memref<1x50x128xf32, #tpu.memory_space<hbm>>
    %dma_start3A_120 = tpu.memref_squeeze %dma_start3A_119 : memref<1x50x128xf32, #tpu.memory_space<hbm>> -> memref<50x128xf32, #tpu.memory_space<hbm>>
    %dma_start3A_121 = arith.constant 0 : i32
    %dma_start3A_122 = arith.constant 0 : i32
    %dma_start3A_123 = tpu.memref_slice %arg4[%add3A_113, %dma_start3A_121, %dma_start3A_122] : memref<16384x50x128xf32, #tpu.memory_space<hbm>> -> memref<1x50x128xf32, #tpu.memory_space<hbm>>
    %dma_start3A_124 = tpu.memref_squeeze %dma_start3A_123 : memref<1x50x128xf32, #tpu.memory_space<hbm>> -> memref<50x128xf32, #tpu.memory_space<hbm>>
    %dma_start3A_125 = arith.constant 0 : i32
    %dma_start3A_126 = arith.constant 0 : i32
    %dma_start3A_127 = tpu.memref_slice %arg7[%dma_start3A_125, %dma_start3A_126] : memref<200x128xf32, #tpu.memory_space<vmem>> -> memref<50x128xf32, #tpu.memory_space<vmem>>
    tpu.enqueue_dma source(%dma_start3A_127 : memref<50x128xf32, #tpu.memory_space<vmem>>) target(%dma_start3A_124 : memref<50x128xf32, #tpu.memory_space<hbm>>) target_semaphore(%arg15 : memref<!tpu.dma_semaphore, #tpu.memory_space<semaphore_mem>>)
    %add3A_128 = arith.constant 500 : i32
    %add3A_129 = arith.addi %mul3A_2, %add3A_128 : i32
    %add3A_130 = arith.constant 1 : i32
    %add3A_131 = arith.addi %add3A_129, %add3A_130 : i32
    %dma_start3A_132 = arith.constant 50 : i32
    %dma_start3A_133 = arith.constant 0 : i32
    %dma_start3A_134 = tpu.memref_slice %arg7[%dma_start3A_132, %dma_start3A_133] : memref<200x128xf32, #tpu.memory_space<vmem>> -> memref<50x128xf32, #tpu.memory_space<vmem>>
    %dma_start3A_135 = arith.constant 0 : i32
    %dma_start3A_136 = arith.constant 0 : i32
    %dma_start3A_137 = tpu.memref_slice %arg4[%add3A_131, %dma_start3A_135, %dma_start3A_136] : memref<16384x50x128xf32, #tpu.memory_space<hbm>> -> memref<1x50x128xf32, #tpu.memory_space<hbm>>
    %dma_start3A_138 = tpu.memref_squeeze %dma_start3A_137 : memref<1x50x128xf32, #tpu.memory_space<hbm>> -> memref<50x128xf32, #tpu.memory_space<hbm>>
    %dma_start3A_139 = arith.constant 0 : i32
    %dma_start3A_140 = arith.constant 0 : i32
    %dma_start3A_141 = tpu.memref_slice %arg4[%add3A_131, %dma_start3A_139, %dma_start3A_140] : memref<16384x50x128xf32, #tpu.memory_space<hbm>> -> memref<1x50x128xf32, #tpu.memory_space<hbm>>
    %dma_start3A_142 = tpu.memref_squeeze %dma_start3A_141 : memref<1x50x128xf32, #tpu.memory_space<hbm>> -> memref<50x128xf32, #tpu.memory_space<hbm>>
    %dma_start3A_143 = arith.constant 50 : i32
    %dma_start3A_144 = arith.constant 0 : i32
    %dma_start3A_145 = tpu.memref_slice %arg7[%dma_start3A_143, %dma_start3A_144] : memref<200x128xf32, #tpu.memory_space<vmem>> -> memref<50x128xf32, #tpu.memory_space<vmem>>
    tpu.enqueue_dma source(%dma_start3A_145 : memref<50x128xf32, #tpu.memory_space<vmem>>) target(%dma_start3A_142 : memref<50x128xf32, #tpu.memory_space<hbm>>) target_semaphore(%arg15 : memref<!tpu.dma_semaphore, #tpu.memory_space<semaphore_mem>>)
    %add3A_146 = arith.constant 500 : i32
    %add3A_147 = arith.addi %mul3A_2, %add3A_146 : i32
    %add3A_148 = arith.constant 2 : i32
    %add3A_149 = arith.addi %add3A_147, %add3A_148 : i32
    %dma_start3A_150 = arith.constant 100 : i32
    %dma_start3A_151 = arith.constant 0 : i32
    %dma_start3A_152 = tpu.memref_slice %arg7[%dma_start3A_150, %dma_start3A_151] : memref<200x128xf32, #tpu.memory_space<vmem>> -> memref<50x128xf32, #tpu.memory_space<vmem>>
    %dma_start3A_153 = arith.constant 0 : i32
    %dma_start3A_154 = arith.constant 0 : i32
    %dma_start3A_155 = tpu.memref_slice %arg4[%add3A_149, %dma_start3A_153, %dma_start3A_154] : memref<16384x50x128xf32, #tpu.memory_space<hbm>> -> memref<1x50x128xf32, #tpu.memory_space<hbm>>
    %dma_start3A_156 = tpu.memref_squeeze %dma_start3A_155 : memref<1x50x128xf32, #tpu.memory_space<hbm>> -> memref<50x128xf32, #tpu.memory_space<hbm>>
    %dma_start3A_157 = arith.constant 0 : i32
    %dma_start3A_158 = arith.constant 0 : i32
    %dma_start3A_159 = tpu.memref_slice %arg4[%add3A_149, %dma_start3A_157, %dma_start3A_158] : memref<16384x50x128xf32, #tpu.memory_space<hbm>> -> memref<1x50x128xf32, #tpu.memory_space<hbm>>
    %dma_start3A_160 = tpu.memref_squeeze %dma_start3A_159 : memref<1x50x128xf32, #tpu.memory_space<hbm>> -> memref<50x128xf32, #tpu.memory_space<hbm>>
    %dma_start3A_161 = arith.constant 100 : i32
    %dma_start3A_162 = arith.constant 0 : i32
    %dma_start3A_163 = tpu.memref_slice %arg7[%dma_start3A_161, %dma_start3A_162] : memref<200x128xf32, #tpu.memory_space<vmem>> -> memref<50x128xf32, #tpu.memory_space<vmem>>
    tpu.enqueue_dma source(%dma_start3A_163 : memref<50x128xf32, #tpu.memory_space<vmem>>) target(%dma_start3A_160 : memref<50x128xf32, #tpu.memory_space<hbm>>) target_semaphore(%arg15 : memref<!tpu.dma_semaphore, #tpu.memory_space<semaphore_mem>>)
    %add3A_164 = arith.constant 500 : i32
    %add3A_165 = arith.addi %mul3A_2, %add3A_164 : i32
    %add3A_166 = arith.constant 3 : i32
    %add3A_167 = arith.addi %add3A_165, %add3A_166 : i32
    %dma_start3A_168 = arith.constant 150 : i32
    %dma_start3A_169 = arith.constant 0 : i32
    %dma_start3A_170 = tpu.memref_slice %arg7[%dma_start3A_168, %dma_start3A_169] : memref<200x128xf32, #tpu.memory_space<vmem>> -> memref<50x128xf32, #tpu.memory_space<vmem>>
    %dma_start3A_171 = arith.constant 0 : i32
    %dma_start3A_172 = arith.constant 0 : i32
    %dma_start3A_173 = tpu.memref_slice %arg4[%add3A_167, %dma_start3A_171, %dma_start3A_172] : memref<16384x50x128xf32, #tpu.memory_space<hbm>> -> memref<1x50x128xf32, #tpu.memory_space<hbm>>
    %dma_start3A_174 = tpu.memref_squeeze %dma_start3A_173 : memref<1x50x128xf32, #tpu.memory_space<hbm>> -> memref<50x128xf32, #tpu.memory_space<hbm>>
    %dma_start3A_175 = arith.constant 0 : i32
    %dma_start3A_176 = arith.constant 0 : i32
    %dma_start3A_177 = tpu.memref_slice %arg4[%add3A_167, %dma_start3A_175, %dma_start3A_176] : memref<16384x50x128xf32, #tpu.memory_space<hbm>> -> memref<1x50x128xf32, #tpu.memory_space<hbm>>
    %dma_start3A_178 = tpu.memref_squeeze %dma_start3A_177 : memref<1x50x128xf32, #tpu.memory_space<hbm>> -> memref<50x128xf32, #tpu.memory_space<hbm>>
    %dma_start3A_179 = arith.constant 150 : i32
    %dma_start3A_180 = arith.constant 0 : i32
    %dma_start3A_181 = tpu.memref_slice %arg7[%dma_start3A_179, %dma_start3A_180] : memref<200x128xf32, #tpu.memory_space<vmem>> -> memref<50x128xf32, #tpu.memory_space<vmem>>
    tpu.enqueue_dma source(%dma_start3A_181 : memref<50x128xf32, #tpu.memory_space<vmem>>) target(%dma_start3A_178 : memref<50x128xf32, #tpu.memory_space<hbm>>) target_semaphore(%arg15 : memref<!tpu.dma_semaphore, #tpu.memory_space<semaphore_mem>>)
    %dma_wait3A_182 = arith.constant 0 : i32
    %dma_wait3A_183 = arith.constant 0 : i32
    %dma_wait3A_184 = tpu.memref_slice %arg3[%dma_wait3A_182, %dma_wait3A_183] : memref<1000000x128xf32, #tpu.memory_space<hbm>> -> memref<200x128xf32, #tpu.memory_space<hbm>>
    %dma_wait3A_185 = arith.constant 0 : i32
    %dma_wait3A_186 = arith.constant 0 : i32
    %dma_wait3A_187 = tpu.memref_slice %arg3[%dma_wait3A_185, %dma_wait3A_186] : memref<1000000x128xf32, #tpu.memory_space<hbm>> -> memref<200x128xf32, #tpu.memory_space<hbm>>
    tpu.wait_dma2 semaphore(%arg12 : memref<!tpu.dma_semaphore, #tpu.memory_space<semaphore_mem>>) src(%dma_wait3A_187 : memref<200x128xf32, #tpu.memory_space<hbm>>) dst(%arg8 : memref<200x128xf32, #tpu.memory_space<vmem>>)
    %add3A_188 = arith.constant 504 : i32
    %add3A_189 = arith.addi %mul3A_2, %add3A_188 : i32
    %add3A_190 = arith.constant 0 : i32
    %add3A_191 = arith.addi %add3A_189, %add3A_190 : i32
    %dma_start3A_192 = arith.constant 0 : i32
    %dma_start3A_193 = arith.constant 0 : i32
    %dma_start3A_194 = tpu.memref_slice %arg8[%dma_start3A_192, %dma_start3A_193] : memref<200x128xf32, #tpu.memory_space<vmem>> -> memref<50x128xf32, #tpu.memory_space<vmem>>
    %dma_start3A_195 = arith.constant 0 : i32
    %dma_start3A_196 = arith.constant 0 : i32
    %dma_start3A_197 = tpu.memref_slice %arg4[%add3A_191, %dma_start3A_195, %dma_start3A_196] : memref<16384x50x128xf32, #tpu.memory_space<hbm>> -> memref<1x50x128xf32, #tpu.memory_space<hbm>>
    %dma_start3A_198 = tpu.memref_squeeze %dma_start3A_197 : memref<1x50x128xf32, #tpu.memory_space<hbm>> -> memref<50x128xf32, #tpu.memory_space<hbm>>
    %dma_start3A_199 = arith.constant 0 : i32
    %dma_start3A_200 = arith.constant 0 : i32
    %dma_start3A_201 = tpu.memref_slice %arg4[%add3A_191, %dma_start3A_199, %dma_start3A_200] : memref<16384x50x128xf32, #tpu.memory_space<hbm>> -> memref<1x50x128xf32, #tpu.memory_space<hbm>>
    %dma_start3A_202 = tpu.memref_squeeze %dma_start3A_201 : memref<1x50x128xf32, #tpu.memory_space<hbm>> -> memref<50x128xf32, #tpu.memory_space<hbm>>
    %dma_start3A_203 = arith.constant 0 : i32
    %dma_start3A_204 = arith.constant 0 : i32
    %dma_start3A_205 = tpu.memref_slice %arg8[%dma_start3A_203, %dma_start3A_204] : memref<200x128xf32, #tpu.memory_space<vmem>> -> memref<50x128xf32, #tpu.memory_space<vmem>>
    tpu.enqueue_dma source(%dma_start3A_205 : memref<50x128xf32, #tpu.memory_space<vmem>>) target(%dma_start3A_202 : memref<50x128xf32, #tpu.memory_space<hbm>>) target_semaphore(%arg16 : memref<!tpu.dma_semaphore, #tpu.memory_space<semaphore_mem>>)
    %add3A_206 = arith.constant 504 : i32
    %add3A_207 = arith.addi %mul3A_2, %add3A_206 : i32
    %add3A_208 = arith.constant 1 : i32
    %add3A_209 = arith.addi %add3A_207, %add3A_208 : i32
    %dma_start3A_210 = arith.constant 50 : i32
    %dma_start3A_211 = arith.constant 0 : i32
    %dma_start3A_212 = tpu.memref_slice %arg8[%dma_start3A_210, %dma_start3A_211] : memref<200x128xf32, #tpu.memory_space<vmem>> -> memref<50x128xf32, #tpu.memory_space<vmem>>
    %dma_start3A_213 = arith.constant 0 : i32
    %dma_start3A_214 = arith.constant 0 : i32
    %dma_start3A_215 = tpu.memref_slice %arg4[%add3A_209, %dma_start3A_213, %dma_start3A_214] : memref<16384x50x128xf32, #tpu.memory_space<hbm>> -> memref<1x50x128xf32, #tpu.memory_space<hbm>>
    %dma_start3A_216 = tpu.memref_squeeze %dma_start3A_215 : memref<1x50x128xf32, #tpu.memory_space<hbm>> -> memref<50x128xf32, #tpu.memory_space<hbm>>
    %dma_start3A_217 = arith.constant 0 : i32
    %dma_start3A_218 = arith.constant 0 : i32
    %dma_start3A_219 = tpu.memref_slice %arg4[%add3A_209, %dma_start3A_217, %dma_start3A_218] : memref<16384x50x128xf32, #tpu.memory_space<hbm>> -> memref<1x50x128xf32, #tpu.memory_space<hbm>>
    %dma_start3A_220 = tpu.memref_squeeze %dma_start3A_219 : memref<1x50x128xf32, #tpu.memory_space<hbm>> -> memref<50x128xf32, #tpu.memory_space<hbm>>
    %dma_start3A_221 = arith.constant 50 : i32
    %dma_start3A_222 = arith.constant 0 : i32
    %dma_start3A_223 = tpu.memref_slice %arg8[%dma_start3A_221, %dma_start3A_222] : memref<200x128xf32, #tpu.memory_space<vmem>> -> memref<50x128xf32, #tpu.memory_space<vmem>>
    tpu.enqueue_dma source(%dma_start3A_223 : memref<50x128xf32, #tpu.memory_space<vmem>>) target(%dma_start3A_220 : memref<50x128xf32, #tpu.memory_space<hbm>>) target_semaphore(%arg16 : memref<!tpu.dma_semaphore, #tpu.memory_space<semaphore_mem>>)
    %add3A_224 = arith.constant 504 : i32
    %add3A_225 = arith.addi %mul3A_2, %add3A_224 : i32
    %add3A_226 = arith.constant 2 : i32
    %add3A_227 = arith.addi %add3A_225, %add3A_226 : i32
    %dma_start3A_228 = arith.constant 100 : i32
    %dma_start3A_229 = arith.constant 0 : i32
    %dma_start3A_230 = tpu.memref_slice %arg8[%dma_start3A_228, %dma_start3A_229] : memref<200x128xf32, #tpu.memory_space<vmem>> -> memref<50x128xf32, #tpu.memory_space<vmem>>
    %dma_start3A_231 = arith.constant 0 : i32
    %dma_start3A_232 = arith.constant 0 : i32
    %dma_start3A_233 = tpu.memref_slice %arg4[%add3A_227, %dma_start3A_231, %dma_start3A_232] : memref<16384x50x128xf32, #tpu.memory_space<hbm>> -> memref<1x50x128xf32, #tpu.memory_space<hbm>>
    %dma_start3A_234 = tpu.memref_squeeze %dma_start3A_233 : memref<1x50x128xf32, #tpu.memory_space<hbm>> -> memref<50x128xf32, #tpu.memory_space<hbm>>
    %dma_start3A_235 = arith.constant 0 : i32
    %dma_start3A_236 = arith.constant 0 : i32
    %dma_start3A_237 = tpu.memref_slice %arg4[%add3A_227, %dma_start3A_235, %dma_start3A_236] : memref<16384x50x128xf32, #tpu.memory_space<hbm>> -> memref<1x50x128xf32, #tpu.memory_space<hbm>>
    %dma_start3A_238 = tpu.memref_squeeze %dma_start3A_237 : memref<1x50x128xf32, #tpu.memory_space<hbm>> -> memref<50x128xf32, #tpu.memory_space<hbm>>
    %dma_start3A_239 = arith.constant 100 : i32
    %dma_start3A_240 = arith.constant 0 : i32
    %dma_start3A_241 = tpu.memref_slice %arg8[%dma_start3A_239, %dma_start3A_240] : memref<200x128xf32, #tpu.memory_space<vmem>> -> memref<50x128xf32, #tpu.memory_space<vmem>>
    tpu.enqueue_dma source(%dma_start3A_241 : memref<50x128xf32, #tpu.memory_space<vmem>>) target(%dma_start3A_238 : memref<50x128xf32, #tpu.memory_space<hbm>>) target_semaphore(%arg16 : memref<!tpu.dma_semaphore, #tpu.memory_space<semaphore_mem>>)
    %add3A_242 = arith.constant 504 : i32
    %add3A_243 = arith.addi %mul3A_2, %add3A_242 : i32
    %add3A_244 = arith.constant 3 : i32
    %add3A_245 = arith.addi %add3A_243, %add3A_244 : i32
    %dma_start3A_246 = arith.constant 150 : i32
    %dma_start3A_247 = arith.constant 0 : i32
    %dma_start3A_248 = tpu.memref_slice %arg8[%dma_start3A_246, %dma_start3A_247] : memref<200x128xf32, #tpu.memory_space<vmem>> -> memref<50x128xf32, #tpu.memory_space<vmem>>
    %dma_start3A_249 = arith.constant 0 : i32
    %dma_start3A_250 = arith.constant 0 : i32
    %dma_start3A_251 = tpu.memref_slice %arg4[%add3A_245, %dma_start3A_249, %dma_start3A_250] : memref<16384x50x128xf32, #tpu.memory_space<hbm>> -> memref<1x50x128xf32, #tpu.memory_space<hbm>>
    %dma_start3A_252 = tpu.memref_squeeze %dma_start3A_251 : memref<1x50x128xf32, #tpu.memory_space<hbm>> -> memref<50x128xf32, #tpu.memory_space<hbm>>
    %dma_start3A_253 = arith.constant 0 : i32
    %dma_start3A_254 = arith.constant 0 : i32
    %dma_start3A_255 = tpu.memref_slice %arg4[%add3A_245, %dma_start3A_253, %dma_start3A_254] : memref<16384x50x128xf32, #tpu.memory_space<hbm>> -> memref<1x50x128xf32, #tpu.memory_space<hbm>>
    %dma_start3A_256 = tpu.memref_squeeze %dma_start3A_255 : memref<1x50x128xf32, #tpu.memory_space<hbm>> -> memref<50x128xf32, #tpu.memory_space<hbm>>
    %dma_start3A_257 = arith.constant 150 : i32
    %dma_start3A_258 = arith.constant 0 : i32
    %dma_start3A_259 = tpu.memref_slice %arg8[%dma_start3A_257, %dma_start3A_258] : memref<200x128xf32, #tpu.memory_space<vmem>> -> memref<50x128xf32, #tpu.memory_space<vmem>>
    tpu.enqueue_dma source(%dma_start3A_259 : memref<50x128xf32, #tpu.memory_space<vmem>>) target(%dma_start3A_256 : memref<50x128xf32, #tpu.memory_space<hbm>>) target_semaphore(%arg16 : memref<!tpu.dma_semaphore, #tpu.memory_space<semaphore_mem>>)
    %dma_wait3A_260 = arith.constant 0 : i32
    %dma_wait3A_261 = arith.constant 0 : i32
    %dma_wait3A_262 = tpu.memref_slice %arg3[%dma_wait3A_260, %dma_wait3A_261] : memref<1000000x128xf32, #tpu.memory_space<hbm>> -> memref<200x128xf32, #tpu.memory_space<hbm>>
    %dma_wait3A_263 = arith.constant 0 : i32
    %dma_wait3A_264 = arith.constant 0 : i32
    %dma_wait3A_265 = tpu.memref_slice %arg3[%dma_wait3A_263, %dma_wait3A_264] : memref<1000000x128xf32, #tpu.memory_space<hbm>> -> memref<200x128xf32, #tpu.memory_space<hbm>>
    tpu.wait_dma2 semaphore(%arg13 : memref<!tpu.dma_semaphore, #tpu.memory_space<semaphore_mem>>) src(%dma_wait3A_265 : memref<200x128xf32, #tpu.memory_space<hbm>>) dst(%arg9 : memref<200x128xf32, #tpu.memory_space<vmem>>)
    %add3A_266 = arith.constant 508 : i32
    %add3A_267 = arith.addi %mul3A_2, %add3A_266 : i32
    %add3A_268 = arith.constant 0 : i32
    %add3A_269 = arith.addi %add3A_267, %add3A_268 : i32
    %dma_start3A_270 = arith.constant 0 : i32
    %dma_start3A_271 = arith.constant 0 : i32
    %dma_start3A_272 = tpu.memref_slice %arg9[%dma_start3A_270, %dma_start3A_271] : memref<200x128xf32, #tpu.memory_space<vmem>> -> memref<50x128xf32, #tpu.memory_space<vmem>>
    %dma_start3A_273 = arith.constant 0 : i32
    %dma_start3A_274 = arith.constant 0 : i32
    %dma_start3A_275 = tpu.memref_slice %arg4[%add3A_269, %dma_start3A_273, %dma_start3A_274] : memref<16384x50x128xf32, #tpu.memory_space<hbm>> -> memref<1x50x128xf32, #tpu.memory_space<hbm>>
    %dma_start3A_276 = tpu.memref_squeeze %dma_start3A_275 : memref<1x50x128xf32, #tpu.memory_space<hbm>> -> memref<50x128xf32, #tpu.memory_space<hbm>>
    %dma_start3A_277 = arith.constant 0 : i32
    %dma_start3A_278 = arith.constant 0 : i32
    %dma_start3A_279 = tpu.memref_slice %arg4[%add3A_269, %dma_start3A_277, %dma_start3A_278] : memref<16384x50x128xf32, #tpu.memory_space<hbm>> -> memref<1x50x128xf32, #tpu.memory_space<hbm>>
    %dma_start3A_280 = tpu.memref_squeeze %dma_start3A_279 : memref<1x50x128xf32, #tpu.memory_space<hbm>> -> memref<50x128xf32, #tpu.memory_space<hbm>>
    %dma_start3A_281 = arith.constant 0 : i32
    %dma_start3A_282 = arith.constant 0 : i32
    %dma_start3A_283 = tpu.memref_slice %arg9[%dma_start3A_281, %dma_start3A_282] : memref<200x128xf32, #tpu.memory_space<vmem>> -> memref<50x128xf32, #tpu.memory_space<vmem>>
    tpu.enqueue_dma source(%dma_start3A_283 : memref<50x128xf32, #tpu.memory_space<vmem>>) target(%dma_start3A_280 : memref<50x128xf32, #tpu.memory_space<hbm>>) target_semaphore(%arg17 : memref<!tpu.dma_semaphore, #tpu.memory_space<semaphore_mem>>)
    %add3A_284 = arith.constant 508 : i32
    %add3A_285 = arith.addi %mul3A_2, %add3A_284 : i32
    %add3A_286 = arith.constant 1 : i32
    %add3A_287 = arith.addi %add3A_285, %add3A_286 : i32
    %dma_start3A_288 = arith.constant 50 : i32
    %dma_start3A_289 = arith.constant 0 : i32
    %dma_start3A_290 = tpu.memref_slice %arg9[%dma_start3A_288, %dma_start3A_289] : memref<200x128xf32, #tpu.memory_space<vmem>> -> memref<50x128xf32, #tpu.memory_space<vmem>>
    %dma_start3A_291 = arith.constant 0 : i32
    %dma_start3A_292 = arith.constant 0 : i32
    %dma_start3A_293 = tpu.memref_slice %arg4[%add3A_287, %dma_start3A_291, %dma_start3A_292] : memref<16384x50x128xf32, #tpu.memory_space<hbm>> -> memref<1x50x128xf32, #tpu.memory_space<hbm>>
    %dma_start3A_294 = tpu.memref_squeeze %dma_start3A_293 : memref<1x50x128xf32, #tpu.memory_space<hbm>> -> memref<50x128xf32, #tpu.memory_space<hbm>>
    %dma_start3A_295 = arith.constant 0 : i32
    %dma_start3A_296 = arith.constant 0 : i32
    %dma_start3A_297 = tpu.memref_slice %arg4[%add3A_287, %dma_start3A_295, %dma_start3A_296] : memref<16384x50x128xf32, #tpu.memory_space<hbm>> -> memref<1x50x128xf32, #tpu.memory_space<hbm>>
    %dma_start3A_298 = tpu.memref_squeeze %dma_start3A_297 : memref<1x50x128xf32, #tpu.memory_space<hbm>> -> memref<50x128xf32, #tpu.memory_space<hbm>>
    %dma_start3A_299 = arith.constant 50 : i32
    %dma_start3A_300 = arith.constant 0 : i32
    %dma_start3A_301 = tpu.memref_slice %arg9[%dma_start3A_299, %dma_start3A_300] : memref<200x128xf32, #tpu.memory_space<vmem>> -> memref<50x128xf32, #tpu.memory_space<vmem>>
    tpu.enqueue_dma source(%dma_start3A_301 : memref<50x128xf32, #tpu.memory_space<vmem>>) target(%dma_start3A_298 : memref<50x128xf32, #tpu.memory_space<hbm>>) target_semaphore(%arg17 : memref<!tpu.dma_semaphore, #tpu.memory_space<semaphore_mem>>)
    %add3A_302 = arith.constant 508 : i32
    %add3A_303 = arith.addi %mul3A_2, %add3A_302 : i32
    %add3A_304 = arith.constant 2 : i32
    %add3A_305 = arith.addi %add3A_303, %add3A_304 : i32
    %dma_start3A_306 = arith.constant 100 : i32
    %dma_start3A_307 = arith.constant 0 : i32
    %dma_start3A_308 = tpu.memref_slice %arg9[%dma_start3A_306, %dma_start3A_307] : memref<200x128xf32, #tpu.memory_space<vmem>> -> memref<50x128xf32, #tpu.memory_space<vmem>>
    %dma_start3A_309 = arith.constant 0 : i32
    %dma_start3A_310 = arith.constant 0 : i32
    %dma_start3A_311 = tpu.memref_slice %arg4[%add3A_305, %dma_start3A_309, %dma_start3A_310] : memref<16384x50x128xf32, #tpu.memory_space<hbm>> -> memref<1x50x128xf32, #tpu.memory_space<hbm>>
    %dma_start3A_312 = tpu.memref_squeeze %dma_start3A_311 : memref<1x50x128xf32, #tpu.memory_space<hbm>> -> memref<50x128xf32, #tpu.memory_space<hbm>>
    %dma_start3A_313 = arith.constant 0 : i32
    %dma_start3A_314 = arith.constant 0 : i32
    %dma_start3A_315 = tpu.memref_slice %arg4[%add3A_305, %dma_start3A_313, %dma_start3A_314] : memref<16384x50x128xf32, #tpu.memory_space<hbm>> -> memref<1x50x128xf32, #tpu.memory_space<hbm>>
    %dma_start3A_316 = tpu.memref_squeeze %dma_start3A_315 : memref<1x50x128xf32, #tpu.memory_space<hbm>> -> memref<50x128xf32, #tpu.memory_space<hbm>>
    %dma_start3A_317 = arith.constant 100 : i32
    %dma_start3A_318 = arith.constant 0 : i32
    %dma_start3A_319 = tpu.memref_slice %arg9[%dma_start3A_317, %dma_start3A_318] : memref<200x128xf32, #tpu.memory_space<vmem>> -> memref<50x128xf32, #tpu.memory_space<vmem>>
    tpu.enqueue_dma source(%dma_start3A_319 : memref<50x128xf32, #tpu.memory_space<vmem>>) target(%dma_start3A_316 : memref<50x128xf32, #tpu.memory_space<hbm>>) target_semaphore(%arg17 : memref<!tpu.dma_semaphore, #tpu.memory_space<semaphore_mem>>)
    %add3A_320 = arith.constant 508 : i32
    %add3A_321 = arith.addi %mul3A_2, %add3A_320 : i32
    %add3A_322 = arith.constant 3 : i32
    %add3A_323 = arith.addi %add3A_321, %add3A_322 : i32
    %dma_start3A_324 = arith.constant 150 : i32
    %dma_start3A_325 = arith.constant 0 : i32
    %dma_start3A_326 = tpu.memref_slice %arg9[%dma_start3A_324, %dma_start3A_325] : memref<200x128xf32, #tpu.memory_space<vmem>> -> memref<50x128xf32, #tpu.memory_space<vmem>>
    %dma_start3A_327 = arith.constant 0 : i32
    %dma_start3A_328 = arith.constant 0 : i32
    %dma_start3A_329 = tpu.memref_slice %arg4[%add3A_323, %dma_start3A_327, %dma_start3A_328] : memref<16384x50x128xf32, #tpu.memory_space<hbm>> -> memref<1x50x128xf32, #tpu.memory_space<hbm>>
    %dma_start3A_330 = tpu.memref_squeeze %dma_start3A_329 : memref<1x50x128xf32, #tpu.memory_space<hbm>> -> memref<50x128xf32, #tpu.memory_space<hbm>>
    %dma_start3A_331 = arith.constant 0 : i32
    %dma_start3A_332 = arith.constant 0 : i32
    %dma_start3A_333 = tpu.memref_slice %arg4[%add3A_323, %dma_start3A_331, %dma_start3A_332] : memref<16384x50x128xf32, #tpu.memory_space<hbm>> -> memref<1x50x128xf32, #tpu.memory_space<hbm>>
    %dma_start3A_334 = tpu.memref_squeeze %dma_start3A_333 : memref<1x50x128xf32, #tpu.memory_space<hbm>> -> memref<50x128xf32, #tpu.memory_space<hbm>>
    %dma_start3A_335 = arith.constant 150 : i32
    %dma_start3A_336 = arith.constant 0 : i32
    %dma_start3A_337 = tpu.memref_slice %arg9[%dma_start3A_335, %dma_start3A_336] : memref<200x128xf32, #tpu.memory_space<vmem>> -> memref<50x128xf32, #tpu.memory_space<vmem>>
    tpu.enqueue_dma source(%dma_start3A_337 : memref<50x128xf32, #tpu.memory_space<vmem>>) target(%dma_start3A_334 : memref<50x128xf32, #tpu.memory_space<hbm>>) target_semaphore(%arg17 : memref<!tpu.dma_semaphore, #tpu.memory_space<semaphore_mem>>)
    %add3A_338 = arith.constant 0 : i32
    %add3A_339 = arith.addi %mul3A_2, %add3A_338 : i32
    %dma_wait3A_340 = arith.constant 0 : i32
    %dma_wait3A_341 = arith.constant 0 : i32
    %dma_wait3A_342 = tpu.memref_slice %arg6[%dma_wait3A_340, %dma_wait3A_341] : memref<200x128xf32, #tpu.memory_space<vmem>> -> memref<50x128xf32, #tpu.memory_space<vmem>>
    %dma_wait3A_343 = arith.constant 0 : i32
    %dma_wait3A_344 = arith.constant 0 : i32
    %dma_wait3A_345 = tpu.memref_slice %arg4[%add3A_339, %dma_wait3A_343, %dma_wait3A_344] : memref<16384x50x128xf32, #tpu.memory_space<hbm>> -> memref<1x50x128xf32, #tpu.memory_space<hbm>>
    %dma_wait3A_346 = tpu.memref_squeeze %dma_wait3A_345 : memref<1x50x128xf32, #tpu.memory_space<hbm>> -> memref<50x128xf32, #tpu.memory_space<hbm>>
    %dma_wait3A_347 = arith.constant 0 : i32
    %dma_wait3A_348 = arith.constant 0 : i32
    %dma_wait3A_349 = tpu.memref_slice %arg4[%add3A_339, %dma_wait3A_347, %dma_wait3A_348] : memref<16384x50x128xf32, #tpu.memory_space<hbm>> -> memref<1x50x128xf32, #tpu.memory_space<hbm>>
    %dma_wait3A_350 = tpu.memref_squeeze %dma_wait3A_349 : memref<1x50x128xf32, #tpu.memory_space<hbm>> -> memref<50x128xf32, #tpu.memory_space<hbm>>
    %dma_wait3A_351 = arith.constant 0 : i32
    %dma_wait3A_352 = arith.constant 0 : i32
    %dma_wait3A_353 = tpu.memref_slice %arg6[%dma_wait3A_351, %dma_wait3A_352] : memref<200x128xf32, #tpu.memory_space<vmem>> -> memref<50x128xf32, #tpu.memory_space<vmem>>
    tpu.wait_dma2 semaphore(%arg14 : memref<!tpu.dma_semaphore, #tpu.memory_space<semaphore_mem>>) src(%dma_wait3A_353 : memref<50x128xf32, #tpu.memory_space<vmem>>) dst(%dma_wait3A_350 : memref<50x128xf32, #tpu.memory_space<hbm>>)
    %add3A_354 = arith.constant 1 : i32
    %add3A_355 = arith.addi %mul3A_2, %add3A_354 : i32
    %dma_wait3A_356 = arith.constant 50 : i32
    %dma_wait3A_357 = arith.constant 0 : i32
    %dma_wait3A_358 = tpu.memref_slice %arg6[%dma_wait3A_356, %dma_wait3A_357] : memref<200x128xf32, #tpu.memory_space<vmem>> -> memref<50x128xf32, #tpu.memory_space<vmem>>
    %dma_wait3A_359 = arith.constant 0 : i32
    %dma_wait3A_360 = arith.constant 0 : i32
    %dma_wait3A_361 = tpu.memref_slice %arg4[%add3A_355, %dma_wait3A_359, %dma_wait3A_360] : memref<16384x50x128xf32, #tpu.memory_space<hbm>> -> memref<1x50x128xf32, #tpu.memory_space<hbm>>
    %dma_wait3A_362 = tpu.memref_squeeze %dma_wait3A_361 : memref<1x50x128xf32, #tpu.memory_space<hbm>> -> memref<50x128xf32, #tpu.memory_space<hbm>>
    %dma_wait3A_363 = arith.constant 0 : i32
    %dma_wait3A_364 = arith.constant 0 : i32
    %dma_wait3A_365 = tpu.memref_slice %arg4[%add3A_355, %dma_wait3A_363, %dma_wait3A_364] : memref<16384x50x128xf32, #tpu.memory_space<hbm>> -> memref<1x50x128xf32, #tpu.memory_space<hbm>>
    %dma_wait3A_366 = tpu.memref_squeeze %dma_wait3A_365 : memref<1x50x128xf32, #tpu.memory_space<hbm>> -> memref<50x128xf32, #tpu.memory_space<hbm>>
    %dma_wait3A_367 = arith.constant 50 : i32
    %dma_wait3A_368 = arith.constant 0 : i32
    %dma_wait3A_369 = tpu.memref_slice %arg6[%dma_wait3A_367, %dma_wait3A_368] : memref<200x128xf32, #tpu.memory_space<vmem>> -> memref<50x128xf32, #tpu.memory_space<vmem>>
    tpu.wait_dma2 semaphore(%arg14 : memref<!tpu.dma_semaphore, #tpu.memory_space<semaphore_mem>>) src(%dma_wait3A_369 : memref<50x128xf32, #tpu.memory_space<vmem>>) dst(%dma_wait3A_366 : memref<50x128xf32, #tpu.memory_space<hbm>>)
    %add3A_370 = arith.constant 2 : i32
    %add3A_371 = arith.addi %mul3A_2, %add3A_370 : i32
    %dma_wait3A_372 = arith.constant 100 : i32
    %dma_wait3A_373 = arith.constant 0 : i32
    %dma_wait3A_374 = tpu.memref_slice %arg6[%dma_wait3A_372, %dma_wait3A_373] : memref<200x128xf32, #tpu.memory_space<vmem>> -> memref<50x128xf32, #tpu.memory_space<vmem>>
    %dma_wait3A_375 = arith.constant 0 : i32
    %dma_wait3A_376 = arith.constant 0 : i32
    %dma_wait3A_377 = tpu.memref_slice %arg4[%add3A_371, %dma_wait3A_375, %dma_wait3A_376] : memref<16384x50x128xf32, #tpu.memory_space<hbm>> -> memref<1x50x128xf32, #tpu.memory_space<hbm>>
    %dma_wait3A_378 = tpu.memref_squeeze %dma_wait3A_377 : memref<1x50x128xf32, #tpu.memory_space<hbm>> -> memref<50x128xf32, #tpu.memory_space<hbm>>
    %dma_wait3A_379 = arith.constant 0 : i32
    %dma_wait3A_380 = arith.constant 0 : i32
    %dma_wait3A_381 = tpu.memref_slice %arg4[%add3A_371, %dma_wait3A_379, %dma_wait3A_380] : memref<16384x50x128xf32, #tpu.memory_space<hbm>> -> memref<1x50x128xf32, #tpu.memory_space<hbm>>
    %dma_wait3A_382 = tpu.memref_squeeze %dma_wait3A_381 : memref<1x50x128xf32, #tpu.memory_space<hbm>> -> memref<50x128xf32, #tpu.memory_space<hbm>>
    %dma_wait3A_383 = arith.constant 100 : i32
    %dma_wait3A_384 = arith.constant 0 : i32
    %dma_wait3A_385 = tpu.memref_slice %arg6[%dma_wait3A_383, %dma_wait3A_384] : memref<200x128xf32, #tpu.memory_space<vmem>> -> memref<50x128xf32, #tpu.memory_space<vmem>>
    tpu.wait_dma2 semaphore(%arg14 : memref<!tpu.dma_semaphore, #tpu.memory_space<semaphore_mem>>) src(%dma_wait3A_385 : memref<50x128xf32, #tpu.memory_space<vmem>>) dst(%dma_wait3A_382 : memref<50x128xf32, #tpu.memory_space<hbm>>)
    %add3A_386 = arith.constant 3 : i32
    %add3A_387 = arith.addi %mul3A_2, %add3A_386 : i32
    %dma_wait3A_388 = arith.constant 150 : i32
    %dma_wait3A_389 = arith.constant 0 : i32
    %dma_wait3A_390 = tpu.memref_slice %arg6[%dma_wait3A_388, %dma_wait3A_389] : memref<200x128xf32, #tpu.memory_space<vmem>> -> memref<50x128xf32, #tpu.memory_space<vmem>>
    %dma_wait3A_391 = arith.constant 0 : i32
    %dma_wait3A_392 = arith.constant 0 : i32
    %dma_wait3A_393 = tpu.memref_slice %arg4[%add3A_387, %dma_wait3A_391, %dma_wait3A_392] : memref<16384x50x128xf32, #tpu.memory_space<hbm>> -> memref<1x50x128xf32, #tpu.memory_space<hbm>>
    %dma_wait3A_394 = tpu.memref_squeeze %dma_wait3A_393 : memref<1x50x128xf32, #tpu.memory_space<hbm>> -> memref<50x128xf32, #tpu.memory_space<hbm>>
    %dma_wait3A_395 = arith.constant 0 : i32
    %dma_wait3A_396 = arith.constant 0 : i32
    %dma_wait3A_397 = tpu.memref_slice %arg4[%add3A_387, %dma_wait3A_395, %dma_wait3A_396] : memref<16384x50x128xf32, #tpu.memory_space<hbm>> -> memref<1x50x128xf32, #tpu.memory_space<hbm>>
    %dma_wait3A_398 = tpu.memref_squeeze %dma_wait3A_397 : memref<1x50x128xf32, #tpu.memory_space<hbm>> -> memref<50x128xf32, #tpu.memory_space<hbm>>
    %dma_wait3A_399 = arith.constant 150 : i32
    %dma_wait3A_400 = arith.constant 0 : i32
    %dma_wait3A_401 = tpu.memref_slice %arg6[%dma_wait3A_399, %dma_wait3A_400] : memref<200x128xf32, #tpu.memory_space<vmem>> -> memref<50x128xf32, #tpu.memory_space<vmem>>
    tpu.wait_dma2 semaphore(%arg14 : memref<!tpu.dma_semaphore, #tpu.memory_space<semaphore_mem>>) src(%dma_wait3A_401 : memref<50x128xf32, #tpu.memory_space<vmem>>) dst(%dma_wait3A_398 : memref<50x128xf32, #tpu.memory_space<hbm>>)
    %add3A_402 = arith.constant 0 : i32
    %add3A_403 = arith.addi %mul3A_2, %add3A_402 : i32
    %dma_wait3A_404 = arith.constant 0 : i32
    %dma_wait3A_405 = arith.constant 0 : i32
    %dma_wait3A_406 = tpu.memref_slice %arg7[%dma_wait3A_404, %dma_wait3A_405] : memref<200x128xf32, #tpu.memory_space<vmem>> -> memref<50x128xf32, #tpu.memory_space<vmem>>
    %dma_wait3A_407 = arith.constant 0 : i32
    %dma_wait3A_408 = arith.constant 0 : i32
    %dma_wait3A_409 = tpu.memref_slice %arg4[%add3A_403, %dma_wait3A_407, %dma_wait3A_408] : memref<16384x50x128xf32, #tpu.memory_space<hbm>> -> memref<1x50x128xf32, #tpu.memory_space<hbm>>
    %dma_wait3A_410 = tpu.memref_squeeze %dma_wait3A_409 : memref<1x50x128xf32, #tpu.memory_space<hbm>> -> memref<50x128xf32, #tpu.memory_space<hbm>>
    %dma_wait3A_411 = arith.constant 0 : i32
    %dma_wait3A_412 = arith.constant 0 : i32
    %dma_wait3A_413 = tpu.memref_slice %arg4[%add3A_403, %dma_wait3A_411, %dma_wait3A_412] : memref<16384x50x128xf32, #tpu.memory_space<hbm>> -> memref<1x50x128xf32, #tpu.memory_space<hbm>>
    %dma_wait3A_414 = tpu.memref_squeeze %dma_wait3A_413 : memref<1x50x128xf32, #tpu.memory_space<hbm>> -> memref<50x128xf32, #tpu.memory_space<hbm>>
    %dma_wait3A_415 = arith.constant 0 : i32
    %dma_wait3A_416 = arith.constant 0 : i32
    %dma_wait3A_417 = tpu.memref_slice %arg7[%dma_wait3A_415, %dma_wait3A_416] : memref<200x128xf32, #tpu.memory_space<vmem>> -> memref<50x128xf32, #tpu.memory_space<vmem>>
    tpu.wait_dma2 semaphore(%arg15 : memref<!tpu.dma_semaphore, #tpu.memory_space<semaphore_mem>>) src(%dma_wait3A_417 : memref<50x128xf32, #tpu.memory_space<vmem>>) dst(%dma_wait3A_414 : memref<50x128xf32, #tpu.memory_space<hbm>>)
    %add3A_418 = arith.constant 1 : i32
    %add3A_419 = arith.addi %mul3A_2, %add3A_418 : i32
    %dma_wait3A_420 = arith.constant 50 : i32
    %dma_wait3A_421 = arith.constant 0 : i32
    %dma_wait3A_422 = tpu.memref_slice %arg7[%dma_wait3A_420, %dma_wait3A_421] : memref<200x128xf32, #tpu.memory_space<vmem>> -> memref<50x128xf32, #tpu.memory_space<vmem>>
    %dma_wait3A_423 = arith.constant 0 : i32
    %dma_wait3A_424 = arith.constant 0 : i32
    %dma_wait3A_425 = tpu.memref_slice %arg4[%add3A_419, %dma_wait3A_423, %dma_wait3A_424] : memref<16384x50x128xf32, #tpu.memory_space<hbm>> -> memref<1x50x128xf32, #tpu.memory_space<hbm>>
    %dma_wait3A_426 = tpu.memref_squeeze %dma_wait3A_425 : memref<1x50x128xf32, #tpu.memory_space<hbm>> -> memref<50x128xf32, #tpu.memory_space<hbm>>
    %dma_wait3A_427 = arith.constant 0 : i32
    %dma_wait3A_428 = arith.constant 0 : i32
    %dma_wait3A_429 = tpu.memref_slice %arg4[%add3A_419, %dma_wait3A_427, %dma_wait3A_428] : memref<16384x50x128xf32, #tpu.memory_space<hbm>> -> memref<1x50x128xf32, #tpu.memory_space<hbm>>
    %dma_wait3A_430 = tpu.memref_squeeze %dma_wait3A_429 : memref<1x50x128xf32, #tpu.memory_space<hbm>> -> memref<50x128xf32, #tpu.memory_space<hbm>>
    %dma_wait3A_431 = arith.constant 50 : i32
    %dma_wait3A_432 = arith.constant 0 : i32
    %dma_wait3A_433 = tpu.memref_slice %arg7[%dma_wait3A_431, %dma_wait3A_432] : memref<200x128xf32, #tpu.memory_space<vmem>> -> memref<50x128xf32, #tpu.memory_space<vmem>>
    tpu.wait_dma2 semaphore(%arg15 : memref<!tpu.dma_semaphore, #tpu.memory_space<semaphore_mem>>) src(%dma_wait3A_433 : memref<50x128xf32, #tpu.memory_space<vmem>>) dst(%dma_wait3A_430 : memref<50x128xf32, #tpu.memory_space<hbm>>)
    %add3A_434 = arith.constant 2 : i32
    %add3A_435 = arith.addi %mul3A_2, %add3A_434 : i32
    %dma_wait3A_436 = arith.constant 100 : i32
    %dma_wait3A_437 = arith.constant 0 : i32
    %dma_wait3A_438 = tpu.memref_slice %arg7[%dma_wait3A_436, %dma_wait3A_437] : memref<200x128xf32, #tpu.memory_space<vmem>> -> memref<50x128xf32, #tpu.memory_space<vmem>>
    %dma_wait3A_439 = arith.constant 0 : i32
    %dma_wait3A_440 = arith.constant 0 : i32
    %dma_wait3A_441 = tpu.memref_slice %arg4[%add3A_435, %dma_wait3A_439, %dma_wait3A_440] : memref<16384x50x128xf32, #tpu.memory_space<hbm>> -> memref<1x50x128xf32, #tpu.memory_space<hbm>>
    %dma_wait3A_442 = tpu.memref_squeeze %dma_wait3A_441 : memref<1x50x128xf32, #tpu.memory_space<hbm>> -> memref<50x128xf32, #tpu.memory_space<hbm>>
    %dma_wait3A_443 = arith.constant 0 : i32
    %dma_wait3A_444 = arith.constant 0 : i32
    %dma_wait3A_445 = tpu.memref_slice %arg4[%add3A_435, %dma_wait3A_443, %dma_wait3A_444] : memref<16384x50x128xf32, #tpu.memory_space<hbm>> -> memref<1x50x128xf32, #tpu.memory_space<hbm>>
    %dma_wait3A_446 = tpu.memref_squeeze %dma_wait3A_445 : memref<1x50x128xf32, #tpu.memory_space<hbm>> -> memref<50x128xf32, #tpu.memory_space<hbm>>
    %dma_wait3A_447 = arith.constant 100 : i32
    %dma_wait3A_448 = arith.constant 0 : i32
    %dma_wait3A_449 = tpu.memref_slice %arg7[%dma_wait3A_447, %dma_wait3A_448] : memref<200x128xf32, #tpu.memory_space<vmem>> -> memref<50x128xf32, #tpu.memory_space<vmem>>
    tpu.wait_dma2 semaphore(%arg15 : memref<!tpu.dma_semaphore, #tpu.memory_space<semaphore_mem>>) src(%dma_wait3A_449 : memref<50x128xf32, #tpu.memory_space<vmem>>) dst(%dma_wait3A_446 : memref<50x128xf32, #tpu.memory_space<hbm>>)
    %add3A_450 = arith.constant 3 : i32
    %add3A_451 = arith.addi %mul3A_2, %add3A_450 : i32
    %dma_wait3A_452 = arith.constant 150 : i32
    %dma_wait3A_453 = arith.constant 0 : i32
    %dma_wait3A_454 = tpu.memref_slice %arg7[%dma_wait3A_452, %dma_wait3A_453] : memref<200x128xf32, #tpu.memory_space<vmem>> -> memref<50x128xf32, #tpu.memory_space<vmem>>
    %dma_wait3A_455 = arith.constant 0 : i32
    %dma_wait3A_456 = arith.constant 0 : i32
    %dma_wait3A_457 = tpu.memref_slice %arg4[%add3A_451, %dma_wait3A_455, %dma_wait3A_456] : memref<16384x50x128xf32, #tpu.memory_space<hbm>> -> memref<1x50x128xf32, #tpu.memory_space<hbm>>
    %dma_wait3A_458 = tpu.memref_squeeze %dma_wait3A_457 : memref<1x50x128xf32, #tpu.memory_space<hbm>> -> memref<50x128xf32, #tpu.memory_space<hbm>>
    %dma_wait3A_459 = arith.constant 0 : i32
    %dma_wait3A_460 = arith.constant 0 : i32
    %dma_wait3A_461 = tpu.memref_slice %arg4[%add3A_451, %dma_wait3A_459, %dma_wait3A_460] : memref<16384x50x128xf32, #tpu.memory_space<hbm>> -> memref<1x50x128xf32, #tpu.memory_space<hbm>>
    %dma_wait3A_462 = tpu.memref_squeeze %dma_wait3A_461 : memref<1x50x128xf32, #tpu.memory_space<hbm>> -> memref<50x128xf32, #tpu.memory_space<hbm>>
    %dma_wait3A_463 = arith.constant 150 : i32
    %dma_wait3A_464 = arith.constant 0 : i32
    %dma_wait3A_465 = tpu.memref_slice %arg7[%dma_wait3A_463, %dma_wait3A_464] : memref<200x128xf32, #tpu.memory_space<vmem>> -> memref<50x128xf32, #tpu.memory_space<vmem>>
    tpu.wait_dma2 semaphore(%arg15 : memref<!tpu.dma_semaphore, #tpu.memory_space<semaphore_mem>>) src(%dma_wait3A_465 : memref<50x128xf32, #tpu.memory_space<vmem>>) dst(%dma_wait3A_462 : memref<50x128xf32, #tpu.memory_space<hbm>>)
    %add3A_466 = arith.constant 0 : i32
    %add3A_467 = arith.addi %mul3A_2, %add3A_466 : i32
    %dma_wait3A_468 = arith.constant 0 : i32
    %dma_wait3A_469 = arith.constant 0 : i32
    %dma_wait3A_470 = tpu.memref_slice %arg8[%dma_wait3A_468, %dma_wait3A_469] : memref<200x128xf32, #tpu.memory_space<vmem>> -> memref<50x128xf32, #tpu.memory_space<vmem>>
    %dma_wait3A_471 = arith.constant 0 : i32
    %dma_wait3A_472 = arith.constant 0 : i32
    %dma_wait3A_473 = tpu.memref_slice %arg4[%add3A_467, %dma_wait3A_471, %dma_wait3A_472] : memref<16384x50x128xf32, #tpu.memory_space<hbm>> -> memref<1x50x128xf32, #tpu.memory_space<hbm>>
    %dma_wait3A_474 = tpu.memref_squeeze %dma_wait3A_473 : memref<1x50x128xf32, #tpu.memory_space<hbm>> -> memref<50x128xf32, #tpu.memory_space<hbm>>
    %dma_wait3A_475 = arith.constant 0 : i32
    %dma_wait3A_476 = arith.constant 0 : i32
    %dma_wait3A_477 = tpu.memref_slice %arg4[%add3A_467, %dma_wait3A_475, %dma_wait3A_476] : memref<16384x50x128xf32, #tpu.memory_space<hbm>> -> memref<1x50x128xf32, #tpu.memory_space<hbm>>
    %dma_wait3A_478 = tpu.memref_squeeze %dma_wait3A_477 : memref<1x50x128xf32, #tpu.memory_space<hbm>> -> memref<50x128xf32, #tpu.memory_space<hbm>>
    %dma_wait3A_479 = arith.constant 0 : i32
    %dma_wait3A_480 = arith.constant 0 : i32
    %dma_wait3A_481 = tpu.memref_slice %arg8[%dma_wait3A_479, %dma_wait3A_480] : memref<200x128xf32, #tpu.memory_space<vmem>> -> memref<50x128xf32, #tpu.memory_space<vmem>>
    tpu.wait_dma2 semaphore(%arg16 : memref<!tpu.dma_semaphore, #tpu.memory_space<semaphore_mem>>) src(%dma_wait3A_481 : memref<50x128xf32, #tpu.memory_space<vmem>>) dst(%dma_wait3A_478 : memref<50x128xf32, #tpu.memory_space<hbm>>)
    %add3A_482 = arith.constant 1 : i32
    %add3A_483 = arith.addi %mul3A_2, %add3A_482 : i32
    %dma_wait3A_484 = arith.constant 50 : i32
    %dma_wait3A_485 = arith.constant 0 : i32
    %dma_wait3A_486 = tpu.memref_slice %arg8[%dma_wait3A_484, %dma_wait3A_485] : memref<200x128xf32, #tpu.memory_space<vmem>> -> memref<50x128xf32, #tpu.memory_space<vmem>>
    %dma_wait3A_487 = arith.constant 0 : i32
    %dma_wait3A_488 = arith.constant 0 : i32
    %dma_wait3A_489 = tpu.memref_slice %arg4[%add3A_483, %dma_wait3A_487, %dma_wait3A_488] : memref<16384x50x128xf32, #tpu.memory_space<hbm>> -> memref<1x50x128xf32, #tpu.memory_space<hbm>>
    %dma_wait3A_490 = tpu.memref_squeeze %dma_wait3A_489 : memref<1x50x128xf32, #tpu.memory_space<hbm>> -> memref<50x128xf32, #tpu.memory_space<hbm>>
    %dma_wait3A_491 = arith.constant 0 : i32
    %dma_wait3A_492 = arith.constant 0 : i32
    %dma_wait3A_493 = tpu.memref_slice %arg4[%add3A_483, %dma_wait3A_491, %dma_wait3A_492] : memref<16384x50x128xf32, #tpu.memory_space<hbm>> -> memref<1x50x128xf32, #tpu.memory_space<hbm>>
    %dma_wait3A_494 = tpu.memref_squeeze %dma_wait3A_493 : memref<1x50x128xf32, #tpu.memory_space<hbm>> -> memref<50x128xf32, #tpu.memory_space<hbm>>
    %dma_wait3A_495 = arith.constant 50 : i32
    %dma_wait3A_496 = arith.constant 0 : i32
    %dma_wait3A_497 = tpu.memref_slice %arg8[%dma_wait3A_495, %dma_wait3A_496] : memref<200x128xf32, #tpu.memory_space<vmem>> -> memref<50x128xf32, #tpu.memory_space<vmem>>
    tpu.wait_dma2 semaphore(%arg16 : memref<!tpu.dma_semaphore, #tpu.memory_space<semaphore_mem>>) src(%dma_wait3A_497 : memref<50x128xf32, #tpu.memory_space<vmem>>) dst(%dma_wait3A_494 : memref<50x128xf32, #tpu.memory_space<hbm>>)
    %add3A_498 = arith.constant 2 : i32
    %add3A_499 = arith.addi %mul3A_2, %add3A_498 : i32
    %dma_wait3A_500 = arith.constant 100 : i32
    %dma_wait3A_501 = arith.constant 0 : i32
    %dma_wait3A_502 = tpu.memref_slice %arg8[%dma_wait3A_500, %dma_wait3A_501] : memref<200x128xf32, #tpu.memory_space<vmem>> -> memref<50x128xf32, #tpu.memory_space<vmem>>
    %dma_wait3A_503 = arith.constant 0 : i32
    %dma_wait3A_504 = arith.constant 0 : i32
    %dma_wait3A_505 = tpu.memref_slice %arg4[%add3A_499, %dma_wait3A_503, %dma_wait3A_504] : memref<16384x50x128xf32, #tpu.memory_space<hbm>> -> memref<1x50x128xf32, #tpu.memory_space<hbm>>
    %dma_wait3A_506 = tpu.memref_squeeze %dma_wait3A_505 : memref<1x50x128xf32, #tpu.memory_space<hbm>> -> memref<50x128xf32, #tpu.memory_space<hbm>>
    %dma_wait3A_507 = arith.constant 0 : i32
    %dma_wait3A_508 = arith.constant 0 : i32
    %dma_wait3A_509 = tpu.memref_slice %arg4[%add3A_499, %dma_wait3A_507, %dma_wait3A_508] : memref<16384x50x128xf32, #tpu.memory_space<hbm>> -> memref<1x50x128xf32, #tpu.memory_space<hbm>>
    %dma_wait3A_510 = tpu.memref_squeeze %dma_wait3A_509 : memref<1x50x128xf32, #tpu.memory_space<hbm>> -> memref<50x128xf32, #tpu.memory_space<hbm>>
    %dma_wait3A_511 = arith.constant 100 : i32
    %dma_wait3A_512 = arith.constant 0 : i32
    %dma_wait3A_513 = tpu.memref_slice %arg8[%dma_wait3A_511, %dma_wait3A_512] : memref<200x128xf32, #tpu.memory_space<vmem>> -> memref<50x128xf32, #tpu.memory_space<vmem>>
    tpu.wait_dma2 semaphore(%arg16 : memref<!tpu.dma_semaphore, #tpu.memory_space<semaphore_mem>>) src(%dma_wait3A_513 : memref<50x128xf32, #tpu.memory_space<vmem>>) dst(%dma_wait3A_510 : memref<50x128xf32, #tpu.memory_space<hbm>>)
    %add3A_514 = arith.constant 3 : i32
    %add3A_515 = arith.addi %mul3A_2, %add3A_514 : i32
    %dma_wait3A_516 = arith.constant 150 : i32
    %dma_wait3A_517 = arith.constant 0 : i32
    %dma_wait3A_518 = tpu.memref_slice %arg8[%dma_wait3A_516, %dma_wait3A_517] : memref<200x128xf32, #tpu.memory_space<vmem>> -> memref<50x128xf32, #tpu.memory_space<vmem>>
    %dma_wait3A_519 = arith.constant 0 : i32
    %dma_wait3A_520 = arith.constant 0 : i32
    %dma_wait3A_521 = tpu.memref_slice %arg4[%add3A_515, %dma_wait3A_519, %dma_wait3A_520] : memref<16384x50x128xf32, #tpu.memory_space<hbm>> -> memref<1x50x128xf32, #tpu.memory_space<hbm>>
    %dma_wait3A_522 = tpu.memref_squeeze %dma_wait3A_521 : memref<1x50x128xf32, #tpu.memory_space<hbm>> -> memref<50x128xf32, #tpu.memory_space<hbm>>
    %dma_wait3A_523 = arith.constant 0 : i32
    %dma_wait3A_524 = arith.constant 0 : i32
    %dma_wait3A_525 = tpu.memref_slice %arg4[%add3A_515, %dma_wait3A_523, %dma_wait3A_524] : memref<16384x50x128xf32, #tpu.memory_space<hbm>> -> memref<1x50x128xf32, #tpu.memory_space<hbm>>
    %dma_wait3A_526 = tpu.memref_squeeze %dma_wait3A_525 : memref<1x50x128xf32, #tpu.memory_space<hbm>> -> memref<50x128xf32, #tpu.memory_space<hbm>>
    %dma_wait3A_527 = arith.constant 150 : i32
    %dma_wait3A_528 = arith.constant 0 : i32
    %dma_wait3A_529 = tpu.memref_slice %arg8[%dma_wait3A_527, %dma_wait3A_528] : memref<200x128xf32, #tpu.memory_space<vmem>> -> memref<50x128xf32, #tpu.memory_space<vmem>>
    tpu.wait_dma2 semaphore(%arg16 : memref<!tpu.dma_semaphore, #tpu.memory_space<semaphore_mem>>) src(%dma_wait3A_529 : memref<50x128xf32, #tpu.memory_space<vmem>>) dst(%dma_wait3A_526 : memref<50x128xf32, #tpu.memory_space<hbm>>)
    %add3A_530 = arith.constant 0 : i32
    %add3A_531 = arith.addi %mul3A_2, %add3A_530 : i32
    %dma_wait3A_532 = arith.constant 0 : i32
    %dma_wait3A_533 = arith.constant 0 : i32
    %dma_wait3A_534 = tpu.memref_slice %arg9[%dma_wait3A_532, %dma_wait3A_533] : memref<200x128xf32, #tpu.memory_space<vmem>> -> memref<50x128xf32, #tpu.memory_space<vmem>>
    %dma_wait3A_535 = arith.constant 0 : i32
    %dma_wait3A_536 = arith.constant 0 : i32
    %dma_wait3A_537 = tpu.memref_slice %arg4[%add3A_531, %dma_wait3A_535, %dma_wait3A_536] : memref<16384x50x128xf32, #tpu.memory_space<hbm>> -> memref<1x50x128xf32, #tpu.memory_space<hbm>>
    %dma_wait3A_538 = tpu.memref_squeeze %dma_wait3A_537 : memref<1x50x128xf32, #tpu.memory_space<hbm>> -> memref<50x128xf32, #tpu.memory_space<hbm>>
    %dma_wait3A_539 = arith.constant 0 : i32
    %dma_wait3A_540 = arith.constant 0 : i32
    %dma_wait3A_541 = tpu.memref_slice %arg4[%add3A_531, %dma_wait3A_539, %dma_wait3A_540] : memref<16384x50x128xf32, #tpu.memory_space<hbm>> -> memref<1x50x128xf32, #tpu.memory_space<hbm>>
    %dma_wait3A_542 = tpu.memref_squeeze %dma_wait3A_541 : memref<1x50x128xf32, #tpu.memory_space<hbm>> -> memref<50x128xf32, #tpu.memory_space<hbm>>
    %dma_wait3A_543 = arith.constant 0 : i32
    %dma_wait3A_544 = arith.constant 0 : i32
    %dma_wait3A_545 = tpu.memref_slice %arg9[%dma_wait3A_543, %dma_wait3A_544] : memref<200x128xf32, #tpu.memory_space<vmem>> -> memref<50x128xf32, #tpu.memory_space<vmem>>
    tpu.wait_dma2 semaphore(%arg17 : memref<!tpu.dma_semaphore, #tpu.memory_space<semaphore_mem>>) src(%dma_wait3A_545 : memref<50x128xf32, #tpu.memory_space<vmem>>) dst(%dma_wait3A_542 : memref<50x128xf32, #tpu.memory_space<hbm>>)
    %add3A_546 = arith.constant 1 : i32
    %add3A_547 = arith.addi %mul3A_2, %add3A_546 : i32
    %dma_wait3A_548 = arith.constant 50 : i32
    %dma_wait3A_549 = arith.constant 0 : i32
    %dma_wait3A_550 = tpu.memref_slice %arg9[%dma_wait3A_548, %dma_wait3A_549] : memref<200x128xf32, #tpu.memory_space<vmem>> -> memref<50x128xf32, #tpu.memory_space<vmem>>
    %dma_wait3A_551 = arith.constant 0 : i32
    %dma_wait3A_552 = arith.constant 0 : i32
    %dma_wait3A_553 = tpu.memref_slice %arg4[%add3A_547, %dma_wait3A_551, %dma_wait3A_552] : memref<16384x50x128xf32, #tpu.memory_space<hbm>> -> memref<1x50x128xf32, #tpu.memory_space<hbm>>
    %dma_wait3A_554 = tpu.memref_squeeze %dma_wait3A_553 : memref<1x50x128xf32, #tpu.memory_space<hbm>> -> memref<50x128xf32, #tpu.memory_space<hbm>>
    %dma_wait3A_555 = arith.constant 0 : i32
    %dma_wait3A_556 = arith.constant 0 : i32
    %dma_wait3A_557 = tpu.memref_slice %arg4[%add3A_547, %dma_wait3A_555, %dma_wait3A_556] : memref<16384x50x128xf32, #tpu.memory_space<hbm>> -> memref<1x50x128xf32, #tpu.memory_space<hbm>>
    %dma_wait3A_558 = tpu.memref_squeeze %dma_wait3A_557 : memref<1x50x128xf32, #tpu.memory_space<hbm>> -> memref<50x128xf32, #tpu.memory_space<hbm>>
    %dma_wait3A_559 = arith.constant 50 : i32
    %dma_wait3A_560 = arith.constant 0 : i32
    %dma_wait3A_561 = tpu.memref_slice %arg9[%dma_wait3A_559, %dma_wait3A_560] : memref<200x128xf32, #tpu.memory_space<vmem>> -> memref<50x128xf32, #tpu.memory_space<vmem>>
    tpu.wait_dma2 semaphore(%arg17 : memref<!tpu.dma_semaphore, #tpu.memory_space<semaphore_mem>>) src(%dma_wait3A_561 : memref<50x128xf32, #tpu.memory_space<vmem>>) dst(%dma_wait3A_558 : memref<50x128xf32, #tpu.memory_space<hbm>>)
    %add3A_562 = arith.constant 2 : i32
    %add3A_563 = arith.addi %mul3A_2, %add3A_562 : i32
    %dma_wait3A_564 = arith.constant 100 : i32
    %dma_wait3A_565 = arith.constant 0 : i32
    %dma_wait3A_566 = tpu.memref_slice %arg9[%dma_wait3A_564, %dma_wait3A_565] : memref<200x128xf32, #tpu.memory_space<vmem>> -> memref<50x128xf32, #tpu.memory_space<vmem>>
    %dma_wait3A_567 = arith.constant 0 : i32
    %dma_wait3A_568 = arith.constant 0 : i32
    %dma_wait3A_569 = tpu.memref_slice %arg4[%add3A_563, %dma_wait3A_567, %dma_wait3A_568] : memref<16384x50x128xf32, #tpu.memory_space<hbm>> -> memref<1x50x128xf32, #tpu.memory_space<hbm>>
    %dma_wait3A_570 = tpu.memref_squeeze %dma_wait3A_569 : memref<1x50x128xf32, #tpu.memory_space<hbm>> -> memref<50x128xf32, #tpu.memory_space<hbm>>
    %dma_wait3A_571 = arith.constant 0 : i32
    %dma_wait3A_572 = arith.constant 0 : i32
    %dma_wait3A_573 = tpu.memref_slice %arg4[%add3A_563, %dma_wait3A_571, %dma_wait3A_572] : memref<16384x50x128xf32, #tpu.memory_space<hbm>> -> memref<1x50x128xf32, #tpu.memory_space<hbm>>
    %dma_wait3A_574 = tpu.memref_squeeze %dma_wait3A_573 : memref<1x50x128xf32, #tpu.memory_space<hbm>> -> memref<50x128xf32, #tpu.memory_space<hbm>>
    %dma_wait3A_575 = arith.constant 100 : i32
    %dma_wait3A_576 = arith.constant 0 : i32
    %dma_wait3A_577 = tpu.memref_slice %arg9[%dma_wait3A_575, %dma_wait3A_576] : memref<200x128xf32, #tpu.memory_space<vmem>> -> memref<50x128xf32, #tpu.memory_space<vmem>>
    tpu.wait_dma2 semaphore(%arg17 : memref<!tpu.dma_semaphore, #tpu.memory_space<semaphore_mem>>) src(%dma_wait3A_577 : memref<50x128xf32, #tpu.memory_space<vmem>>) dst(%dma_wait3A_574 : memref<50x128xf32, #tpu.memory_space<hbm>>)
    %add3A_578 = arith.constant 3 : i32
    %add3A_579 = arith.addi %mul3A_2, %add3A_578 : i32
    %dma_wait3A_580 = arith.constant 150 : i32
    %dma_wait3A_581 = arith.constant 0 : i32
    %dma_wait3A_582 = tpu.memref_slice %arg9[%dma_wait3A_580, %dma_wait3A_581] : memref<200x128xf32, #tpu.memory_space<vmem>> -> memref<50x128xf32, #tpu.memory_space<vmem>>
    %dma_wait3A_583 = arith.constant 0 : i32
    %dma_wait3A_584 = arith.constant 0 : i32
    %dma_wait3A_585 = tpu.memref_slice %arg4[%add3A_579, %dma_wait3A_583, %dma_wait3A_584] : memref<16384x50x128xf32, #tpu.memory_space<hbm>> -> memref<1x50x128xf32, #tpu.memory_space<hbm>>
    %dma_wait3A_586 = tpu.memref_squeeze %dma_wait3A_585 : memref<1x50x128xf32, #tpu.memory_space<hbm>> -> memref<50x128xf32, #tpu.memory_space<hbm>>
    %dma_wait3A_587 = arith.constant 0 : i32
    %dma_wait3A_588 = arith.constant 0 : i32
    %dma_wait3A_589 = tpu.memref_slice %arg4[%add3A_579, %dma_wait3A_587, %dma_wait3A_588] : memref<16384x50x128xf32, #tpu.memory_space<hbm>> -> memref<1x50x128xf32, #tpu.memory_space<hbm>>
    %dma_wait3A_590 = tpu.memref_squeeze %dma_wait3A_589 : memref<1x50x128xf32, #tpu.memory_space<hbm>> -> memref<50x128xf32, #tpu.memory_space<hbm>>
    %dma_wait3A_591 = arith.constant 150 : i32
    %dma_wait3A_592 = arith.constant 0 : i32
    %dma_wait3A_593 = tpu.memref_slice %arg9[%dma_wait3A_591, %dma_wait3A_592] : memref<200x128xf32, #tpu.memory_space<vmem>> -> memref<50x128xf32, #tpu.memory_space<vmem>>
    tpu.wait_dma2 semaphore(%arg17 : memref<!tpu.dma_semaphore, #tpu.memory_space<semaphore_mem>>) src(%dma_wait3A_593 : memref<50x128xf32, #tpu.memory_space<vmem>>) dst(%dma_wait3A_590 : memref<50x128xf32, #tpu.memory_space<hbm>>)
    return
  }
}

module attributes {stable_mosaic.version = 14 : i64} {
  func.func @_fat_block(%arg0: i32, %arg1: memref<64x16384xf32, #tpu.memory_space<vmem>>, %arg2: memref<16384x128xf32, #tpu.memory_space<vmem>>) attributes {dimension_semantics = [#tpu.dimension_semantics<arbitrary>], iteration_bounds = array<i64: 62>, scalar_prefetch = 0 : i64, scratch_operands = 0 : i64, tpu.core_type = #tpu.core_type<tc>, window_params = [{transform_indices = @transform_0, window_bounds = array<i64: 64, 16384>}, {transform_indices = @transform_1, window_bounds = array<i64: 16384, 128>}]} {
    %get3A = arith.constant 0 : index
    %get3A_0 = arith.constant 0 : index
    %get3A_1 = vector.load %arg1[%get3A, %get3A_0] : memref<64x16384xf32, #tpu.memory_space<vmem>>, vector<64x16384xf32>
    %transpose3A = tpu.transpose %get3A_1, [1, 0] : vector<64x16384xf32> -> vector<16384x64xf32>
    %swap3A = arith.constant 0 : index
    %swap3A_2 = arith.constant 0 : index
    %swap3A_3 = vector.load %arg2[%swap3A, %swap3A_2] : memref<16384x128xf32, #tpu.memory_space<vmem>>, vector<16384x64xf32>
    tpu.vector_store %arg2[%swap3A, %swap3A_2], %transpose3A {strides = array<i32>} : memref<16384x128xf32, #tpu.memory_space<vmem>>, vector<16384x64xf32>,
    return
  }
  func.func @transform_0(%arg0: i32) -> (i32, i32) {
    %c0_i32 = arith.constant 0 : i32
    %c0_i32_0 = arith.constant 0 : i32
    return %c0_i32, %arg0 : i32, i32
  }
  func.func @transform_1(%arg0: i32) -> (i32, i32) {
    %c0_i32 = arith.constant 0 : i32
    %c0_i32_0 = arith.constant 0 : i32
    return %arg0, %c0_i32 : i32, i32
  }
}

</mosaic_0001>

<sc_bundles>
// kernel: kernel.4.cloned.1.call-start
scs
__scs_entry_jumppad:
0x0: {  	(pc) =	sbr.rel $0x88, $3  }
0x1: {  	(tag) =	ssettag $0x0;
	lr =	simm.s32 $0x1  }
0x2: {  	[smem:$0x3F9F] =	sst lr;
	_ =	strace $0xD0000000  }
0x3: {  	_ = 	snop  }
0x4: {  	_ = 	snop  }
0x5: {  	_ = 	snop  }
0x6: {  	_ = 	snop  }
0x7: {  	_ = 	snop  }
__scs_overlays_trampoline_lowered:
0x8: {  	[smem:$0x3FAE] =	sst s0  }
0x9: {  	[smem:$0x3FAF] =	sst s1  }
0xa: {  	[smem:$0x3FB0] =	sst s2  }
0xb: {  	[smem:$0x3FB1] =	sst s3  }
0xc: {  	[smem:$0x3FB2] =	sst s4  }
0xd: {  	[smem:$0x3FB3] =	sst s5  }
0xe: {  	[smem:$0x3FB4] =	sst s6  }
0xf: {  	[smem:$0x3FB5] =	sst s7  }
0x10: {  	[smem:$0x3FB6] =	sst s8  }
0x11: {  	[smem:$0x3FB7] =	sst s9;
	s0 =	simm.s32 @!p0 $0x0  }
0x12: {  	s1 =	sld [smem:$0x3F9D];
	s0 =	simm.s32 @p0 $0x1  }
0x13: {  	[smem:$0x3FB8] =	sst s0;
	s0 =	simm.s32 @!p1 $0x0  }
0x14: {  	s2 =	sld [smem:$0x3F9C];
	s0 =	simm.s32 @p1 $0x1  }
0x15: {  	[smem:$0x3FB9] =	sst s0;
	s0 =	simm.s32 @!p2 $0x0  }
0x16: {  	s3 =	sld [smem:$0x3FDB];
	s0 =	simm.s32 @p2 $0x1  }
0x17: {  	s4 =	simm.s32 $0x1BF5;
	[smem:$0x3FBB] =	sst s0  }
0x18: {  	s0 =	sld [smem:$0x3F9E];
	_ =	swait.ge [sflag:s4], $0x0  }
0x19: {  	s7 =	sld [smem:$0x3F9F]  }
0x1a: {  	s8 =	sadd.s32 $0xFFFFE003, lr  }
0x1b: {  	s9 =	sadd.s32 $0xFFFFFEF7, lr;
	s5 =	simm.s32 $0xFFFFFFFF;
	p2 =	slt.u32 s8, $0xFFFFF086  }
0x1c: {  	p1 =	slt.u32 s9, $0xF7A;
	s5 =	simm.s32 @!p2 $0x0  }
0x1d: {  	s5 =	simm.s32 @p1 $0x1;
	p0 =	seq.s32 s7, s2  }
0x1e: {  	s7 =	smul.u32 @!p0 $0xF7A, s2;
	p2 =	seq.s32 @!p0 s5, $0x0  }
0x1f: {  	s9 =	smul.u32 $0xF7A, s1;
	s8 =	simm.s32 @!p0 $0x1BF5;
	p2 =	por !p2, p0  }
0x20: {  	[sflag:s8] =	ssyncset.s32 @!p0 $0xFFFFF086;
	s6 =	sadd.s32 @!p0 s3, s7;
	s7 =	simm.s32 @!p0 $0x108  }
0x21: {  	s3 =	sadd.s32 s3, s9;
	s6 =	sadd.s32 @!p0 $0x88, s6;
	s7 =	simm.s32 @p2 $0x1082  }
0x22: {  	[simem:s7], [sflag:s8] =	dma.local @!p0 [hbm:s6], $0xF7A  }
0x23: {  	s9 =	sor.u32 $0xD0000000, s2;
	s6 =	simm.s32 $0x108;
	_ =	swait.ge @!p0 [sflag:s8], $0x0  }
0x24: {  	s3 =	sadd.s32 $0x88, s3;
	s6 =	simm.s32 @!p1 $0x1082;
	[sflag:s4] =	ssyncset.s32 $0xFFFFF086  }
0x25: {  	[simem:s6], [sflag:s4] =	dma.local [hbm:s3], $0xF7A  }
0x26: {  	[smem:$0x3F9F] =	sst s1;
	(tag) =	ssettag s2;
	_ =	strace s9  }
0x27: {  	s1 =	sld [smem:$0x3FAF]  }
0x28: {  	s2 =	sld [smem:$0x3FB0]  }
0x29: {  	s4 =	sld [smem:$0x3FB2]  }
0x2a: {  	p0 =	seq.s32 s5, $0x0;
	s5 =	sld [smem:$0x3FB3]  }
0x2b: {  	s6 =	sld [smem:$0x3FB4]  }
0x2c: {  	s7 =	sld [smem:$0x3FB5]  }
0x2d: {  	s3 =	simm.s32 $0x108;
	s8 =	sld [smem:$0x3FB6]  }
0x2e: {  	s3 =	simm.s32 @!p0 $0x1082;
	s9 =	sld [smem:$0x3FB7]  }
0x2f: {  	lr =	sadd.s32 s0, s3;
	s0 =	sld [smem:$0x3FAE]  }
0x30: {  	s3 =	sld [smem:$0x3FB1]  }
0x31: {  	[smem:$0x3FBA] =	sst s10  }
0x32: {  	s10 =	sld [smem:$0x3FB8];
	_ =	sdelay $0x3  }
0x33: {  	p0 =	seq.s32 s10, $0x1;
	s10 =	sld [smem:$0x3FBA];
	_ =	sdelay $0x3  }
0x34: {  	[smem:$0x3FBA] =	sst s10  }
0x35: {  	s10 =	sld [smem:$0x3FB9];
	_ =	sdelay $0x3  }
0x36: {  	p1 =	seq.s32 s10, $0x1;
	s10 =	sld [smem:$0x3FBA];
	_ =	sdelay $0x3  }
0x37: {  	[smem:$0x3FBA] =	sst s10  }
0x38: {  	s10 =	sld [smem:$0x3FBB]  }
0x39: {  	_ = 	snop;
	(pc) =	sbr.ind lr, $3  }
0x3a: {  	_ = 	snop  }
0x3b: {  	_ = 	snop  }
0x3c: {  	p2 =	seq.s32 s10, $0x1;
	s10 =	sld [smem:$0x3FBA]  }
0x3d: {  	_ =	shalt  }
0x3e: {  	_ =	shalt  }
0x3f: {  	_ =	shalt  }
0x40: {  	_ =	shalt  }
0x41: {  	_ =	shalt  }
0x42: {  	_ =	shalt  }
0x43: {  	_ =	shalt  }
0x44: {  	_ =	shalt  }
0x45: {  	_ =	shalt  }
0x46: {  	_ =	shalt  }
0x47: {  	_ =	shalt  }
0x48: {  	_ =	shalt  }
0x49: {  	_ =	shalt  }
0x4a: {  	_ =	shalt  }
0x4b: {  	_ =	shalt  }
0x4c: {  	_ =	shalt  }
0x4d: {  	_ =	shalt  }
0x4e: {  	_ =	shalt  }
0x4f: {  	_ =	shalt  }
0x50: {  	_ =	shalt  }
0x51: {  	_ =	shalt  }
0x52: {  	_ =	shalt  }
0x53: {  	_ =	shalt  }
0x54: {  	_ =	shalt  }
0x55: {  	_ =	shalt  }
0x56: {  	_ =	shalt  }
0x57: {  	_ =	shalt  }
0x58: {  	_ =	shalt  }
0x59: {  	_ =	shalt  }
0x5a: {  	_ =	shalt  }
0x5b: {  	_ =	shalt  }
0x5c: {  	_ =	shalt  }
0x5d: {  	_ =	shalt  }
0x5e: {  	_ =	shalt  }
0x5f: {  	_ =	shalt  }
0x60: {  	_ =	shalt  }
0x61: {  	_ =	shalt  }
0x62: {  	_ =	shalt  }
0x63: {  	_ =	shalt  }
0x64: {  	_ =	shalt  }
0x65: {  	_ =	shalt  }
0x66: {  	_ =	shalt  }
0x67: {  	_ =	shalt  }
0x68: {  	_ =	shalt  }
0x69: {  	_ =	shalt  }
0x6a: {  	_ =	shalt  }
0x6b: {  	_ =	shalt  }
0x6c: {  	_ =	shalt  }
0x6d: {  	_ =	shalt  }
0x6e: {  	_ =	shalt  }
0x6f: {  	_ =	shalt  }
0x70: {  	_ =	shalt  }
0x71: {  	_ =	shalt  }
0x72: {  	_ =	shalt  }
0x73: {  	_ =	shalt  }
0x74: {  	_ =	shalt  }
0x75: {  	_ =	shalt  }
0x76: {  	_ =	shalt  }
0x77: {  	_ =	shalt  }
0x78: {  	_ =	shalt  }
0x79: {  	_ =	shalt  }
0x7a: {  	_ =	shalt  }
0x7b: {  	_ =	shalt  }
0x7c: {  	_ =	shalt  }
0x7d: {  	_ =	shalt  }
0x7e: {  	_ =	shalt  }
0x7f: {  	_ =	shalt  }
0x80: {  	_ =	shalt  }
0x81: {  	_ =	shalt  }
0x82: {  	_ =	shalt  }
0x83: {  	_ =	shalt  }
0x84: {  	_ =	shalt  }
0x85: {  	_ =	shalt  }
0x86: {  	_ =	shalt  }
0x87: {  	_ =	shalt  }
.Lfunc_end0:
.L_simem_size_0:
called_computation.1_lowered:
.L_overlay_start_0:
0x88: {  	s2 =	sld [smem:$0x3FD9]  }
0x89: {  	s3 =	sld [smem:$0x3FFE];
	_ =	sdelay $0x1  }
0x8a: {  	s1 =	srdreg.scid  }
0x8b: {  	s0 =	sand.u32 $0x1, s1  }
0x8c: {  	s17 =	sshll.u32 s0, $0xA;
	s2 =	sadd.s32 s3, s2  }
0x8d: {  	s2 =	sadd.s32 s2, s17  }
0x8e: {  	[smem:$0x3FC6] =	sst s2  }
0x8f: {  	_ = 	snop  }
0x90: {  	s2 =	sld [smem:$0x3FD0];
	(tm) =	ssettm $0x1  }
0x91: {  	s18 =	sld [smem:$0x3FFB];
	_ =	sdelay $0x3  }
0x92: {  	_ =	strace s18  }
0x93: {  	s3 =	sld [smem:$0x3FFC];
	_ =	sdelay $0x3  }
0x94: {  	_ =	strace s3  }
0x95: {  	s3 =	sld [smem:$0x3FFD];
	_ =	sdelay $0x3  }
0x96: {  	_ =	strace s3  }
0x97: {  	_ =	strace $0x8FFFFFFF  }
0x98: {  	s19 =	sld [smem:$0x3FDB];
	_ =	sdelay $0x1  }
0x99: {  	s4 =	simm.s32 $_scs_section_size  }
0x9a: {  	s5 =	simm.s32 $_size__tile_overlayer_lowered;
	s6 =	simm.s32 $_tile_overlayer_lowered  }
0x9b: {  	s22 =	simm.s32 $0x1BFF;
	s21 =	sshll.u32 s6, $0x1;
	s3 =	sadd.s32 s4, s19  }
0x9c: {  	s7 =	simm.s32 $0x0;
	s20 =	sshll.u32 s5, $0x1;
	s5 =	sadd.s32 s21, s3  }
0x9d: {  	[timem:s7], [sflag:s22] =	dma.local [hbm:s5], s20  }
0x9e: {  	_ =	swait.ge [sflag:s22], s20  }
0x9f: {  	s4 =	ssub.s32 $0x0, s20;
	[sflag:s22] =	ssyncset.done $0x0  }
0xa0: {  	[sflag:s22] =	ssyncadd.s32 s4;
	_ =	sdelay $0x1  }
0xa1: {  	s23 =	simm.s32 $0x1B8B  }
0xa2: {  	_ =	swait.ge [sflag:s23], $0x1  }
0xa3: {  	[sflag:s23] =	ssyncset.done $0x0  }
0xa4: {  	s25 =	simm.s32 $0x1B8E;
	s24 =	sld [smem:$0x3FFE];
	[sflag:s23] =	ssyncadd.s32 $0xFFFFFFFF  }
0xa5: {  	s26 =	simm.s32 $execute0_lowered;
	[smem:$0x3FD2] =	sst s25  }
0xa6: {  	s5 =	sshll.u32 s26, $0x1;
	_ =	strace $0x80000046;
	[dreg:$0x1] =	wrdreg $0xFFFFFFFF  }
0xa7: {  	s28 =	simm.s32 $_size_execute0_lowered;
	s3 =	sadd.s32 s3, s5;
	[dreg:$0x0] =	wrdreg $0x0  }
0xa8: {  	s5 =	sshll.u32 s28, $0x1;
	[dreg:$0x2] =	wrdreg s3  }
0xa9: {  	[dreg:$0x3] =	wrdreg s5  }
0xaa: {  	[dreg:$0x4] =	wrdreg $0xC0  }
0xab: {  	_ =	task [dreg:s7], $0x5FFFF  }
0xac: {  	[dreg:$0x1] =	wrdreg $0xFFFFFFFF  }
0xad: {  	[dreg:$0x0] =	wrdreg $0x60  }
0xae: {  	[dreg:$0x2] =	wrdreg s2  }
0xaf: {  	[dreg:$0x3] =	wrdreg s24  }
0xb0: {  	[dreg:$0x4] =	wrdreg $0x9  }
0xb1: {  	_ =	task.clear_ibuf [dreg:s7], $0x5FFFF;
	_ =	strace $0x90000046  }
0xb2: {  	s29 =	simm.s32 $0x9;
	_ =	strace $0x80000048  }
0xb3: {  	_ =	swait.ge [sflag:s29], $0x1  }
0xb4: {  	[sflag:s29] =	ssyncadd.s32 $0xFFFFFFFF  }
0xb5: {  	_ =	strace $0x90000048  }
0xb6: {  	_ =	sfence  }
0xb7: {  	s30 =	sld [smem:$0x0];
	_ =	sdelay $0x2  }
0xb8: {  	s31 =	sshll.u32 s1, $0xD;
	s1 =	sshrl.u32 s1, $0x2  }
0xb9: {  	s3 =	sand.u32 $0x4000, s31;
	s1 =	sadd.s32 s1, s30  }
0xba: {  	s0 =	sor.u32 s3, s0;
	s1 =	sshll.u32 s1, $0x11  }
0xbb: {  	s0 =	sor.u32 s1, s0  }
0xbc: {  	s0 =	sadd.s32 $0x8F2B, s0  }
0xbd: {  	[sflag:s0] =	ssyncadd.remote.s32 $0x1  }
0xbe: {  	_ =	sfence.sel $0xFFFF  }
0xbf: {  	[dreg:$0x0] =	wrdreg $0xFFFFFFFF;
	(pc) =	sbr.abs _section_cstart, $3  }
0xc0: {  	[dreg:$0x1] =	wrdreg $0xFFFFFFFF  }
0xc1: {  	_ =	task.clear_ibuf [dreg:s7], $0x2FFFF;
	_ =	strace $0x9FFFFFFF  }
0xc2: {  	(tm) =	ssettm $0x7FFFFFFF  }
0xc3: {  	_ =	shalt  }
tec
execute0_lowered:
.L_overlay_start_1:
0x0: {  	(tag) =	ssettag $0x1  }
0x1: {  	s4 =	rddreg [dreg:$0x0]  }
0x2: {  	s0 =	rddreg [dreg:$0x1];
	s2 =	simm.s32 $0x0;
	s1 =	srdreg.scid  }
0x3: {  	s10 =	stileid.u32;
	[smem:$0x7FF] =	sst s2  }
0x4: {  	s5 =	sand.u32 $0x1, s1;
	s26 =	sshll.u32 s10, $0x1;
	s3 =	sshrl.u32 s10, $0x2  }
0x5: {  	_ =	strace $0x80000047;
	s1 =	sor.u32 s5, s26;
	s6 =	smul.u32 $0x32000, s3  }
0x6: {  	s8 =	ssub.s32 $0x2, s5;
	s7 =	sshll.u32 s1, $0x7;
	s1 =	smul.u32 $0x380000, s1  }
0x7: {  	s3 =	sadd.s32 $0x800, s0;
	s9 =	sshrl.u32 s8, $0x1;
	s7 =	sand.u32 $0x380, s7  }
0x8: {  	s6 =	sor.u32 s6, s7;
	s29 =	sshrl.u32 s1, $0x3;
	s1 =	ssub.s32 s8, s9  }
0x9: {  	s0 =	sadd.s32 $0xF42C00, s0;
	s6 =	sshrl.u32 s6, $0x3;
	s1 =	smax.u32 s1, $0x1  }
0xa: {  	s7 =	sadd.s32 s0, s29;
	s4 =	sadd.s32 s4, s6;
	[dreg:$0x1e] =	wrdreg s1  }
0xb: {  	s11 =	sadd.s32 $0x6C800, s7;
	[dreg:$0xd] =	wrdreg s4  }
0xc: {  	s13 =	sadd.s32 $0x6CB80, s7;
	[dreg:$0xe] =	wrdreg s11  }
0xd: {  	s14 =	sadd.s32 $0x6CF00, s7;
	[dreg:$0xf] =	wrdreg s13  }
0xe: {  	s16 =	sadd.s32 $0x6D280, s7;
	[dreg:$0x10] =	wrdreg s14  }
0xf: {  	s17 =	sadd.s32 $0x6D600, s7;
	[dreg:$0x11] =	wrdreg s16  }
0x10: {  	s18 =	sadd.s32 $0x6D980, s7;
	[dreg:$0x12] =	wrdreg s17  }
0x11: {  	s19 =	sadd.s32 $0x6DD00, s7;
	[dreg:$0x13] =	wrdreg s18  }
0x12: {  	s28 =	simm.s32 $0xC800;
	s20 =	sadd.s32 $0x6E080, s7;
	[dreg:$0x14] =	wrdreg s19  }
0x13: {  	s30 =	simm.s32 $0x12C00;
	s21 =	sadd.s32 $0x6E400, s7;
	[dreg:$0x15] =	wrdreg s20  }
0x14: {  	s31 =	simm.s32 $0x5;
	s22 =	sadd.s32 $0x6E780, s7;
	[dreg:$0x16] =	wrdreg s21  }
0x15: {  	s12 =	smul.u32 $0x700000, s10;
	s24 =	sadd.s32 $0x6EB00, s7;
	[dreg:$0x17] =	wrdreg s22  }
0x16: {  	s15 =	smul.u32 $0x380000, s5;
	s25 =	sadd.s32 $0x6EE80, s7;
	[dreg:$0x18] =	wrdreg s24  }
0x17: {  	s5 =	smul.u32 $0x70000, s5;
	s26 =	sadd.s32 $0x6F200, s7;
	[dreg:$0x19] =	wrdreg s25  }
0x18: {  	s1 =	simm.s32 $0x1;
	s4 =	sadd.s32 s15, s12;
	[dreg:$0x1a] =	wrdreg s26  }
0x19: {  	s11 =	smul.u32 $0xE0000, s10;
	s15 =	sadd.s32 $0x6F580, s7;
	s21 =	sadd.s32 $0x6F900, s7  }
0x1a: {  	s10 =	simm.s32 $0x14500;
	s23 =	sor.u32 $0x1A400, s4;
	s29 =	sor.u32 $0x18800, s4  }
0x1b: {  	s9 =	sor.u32 $0x16C00, s4;
	s14 =	sor.u32 $0x13400, s4;
	[dreg:$0x1b] =	wrdreg s15  }
0x1c: {  	s18 =	sor.u32 $0x11800, s4;
	s20 =	sor.u32 $0xC400, s4;
	[dreg:$0x1c] =	wrdreg s21  }
0x1d: {  	s25 =	sor.u32 $0x8C00, s4;
	s15 =	simm.s32 $0x1A900;
	s6 =	sshrl.u32 s23, $0x3  }
0x1e: {  	s8 =	sshrl.u32 s29, $0x3;
	s13 =	sadd.s32 s11, s0;
	s16 =	sshrl.u32 s14, $0x3  }
0x1f: {  	s19 =	sshrl.u32 s18, $0x3;
	s23 =	sor.u32 $0xA800, s4;
	s4 =	sor.u32 $0x5400, s4  }
0x20: {  	s29 =	sadd.s32 $0x6FC80, s7;
	s7 =	simm.s32 $0x11300;
	s11 =	simm.s32 $0x15E00  }
0x21: {  	s14 =	simm.s32 $0x4;
	s18 =	simm.s32 $0x8;
	s6 =	sadd.s32 s6, s0  }
0x22: {  	s5 =	sadd.s32 s5, s13;
	s17 =	sadd.s32 s16, s0;
	[dreg:$0x1d] =	wrdreg s29  }
0x23: {  	s24 =	sshrl.u32 s23, $0x3;
	s4 =	sshrl.u32 s4, $0x3;
	[dreg:$0x3] =	wrdreg s6  }
0x24: {  	s13 =	simm.s32 $0x7;
	s16 =	simm.s32 $0x1C200;
	[dreg:$0x6] =	wrdreg s5  }
0x25: {  	s6 =	sadd.s32 s8, s0;
	s8 =	sshrl.u32 s9, $0x3;
	[dreg:$0x7] =	wrdreg s17  }
0x26: {  	s5 =	sadd.s32 s19, s0;
	s9 =	simm.s32 $0x3;
	s17 =	simm.s32 $0x1DB00  }
0x27: {  	[dreg:$0x4] =	wrdreg s6;
	s12 =	sadd.s32 s8, s0;
	s6 =	sshrl.u32 s20, $0x3  }
0x28: {  	[dreg:$0x8] =	wrdreg s5;
	s5 =	sadd.s32 s24, s0;
	s8 =	simm.s32 $0x6  }
0x29: {  	[dreg:$0x5] =	wrdreg s12;
	s22 =	sadd.s32 s6, s0;
	s6 =	sshrl.u32 s25, $0x3  }
0x2a: {  	[dreg:$0xa] =	wrdreg s5;
	s25 =	simm.s32 $0xC8;
	s12 =	simm.s32 $0x17700  }
0x2b: {  	[dreg:$0x9] =	wrdreg s22;
	s26 =	sadd.s32 s6, s0;
	s0 =	sadd.s32 s4, s0  }
0x2c: {  	s4 =	simm.s32 $0x2;
	s6 =	simm.s32 $0x0;
	[dreg:$0xb] =	wrdreg s26  }
0x2d: {  	[dreg:$0xc] =	wrdreg s0;
	s26 =	simm.s32 $0x6400;
	s0 =	simm.s32 $0x19000  }
.LBB2_1:
0x2e: {  	s5 =	rddreg [dreg:$0xd];
	s19 =	simm.s32 $0x80;
	s20 =	simm.s32 $0x400  }
0x2f: {  	[tilespmem:s2], [sflag:$0x9] =	stream.strided.gather [hbm4b:s5+s19], $0x6400, s20, s19, $0x38;
	[tilespmem:$0x1F400] =	vst v63  }
0x30: {  	[dreg:$0x1f] =	wrdreg s6;
	s20 =	simm.s32 $0x9  }
0x31: {  	_ =	swait.ge [sflag:s20], $0x6400  }
0x32: {  	[sflag:s20] =	ssyncset.done $0x0  }
0x33: {  	[sflag:s20] =	ssyncadd.s32 $0xFFFF9C00  }
0x34: {  	[tilespmem:s26], [sflag:$0x1] =	stream.indirect.gather [hbm4b:s3+s25], $0x80, s2, s25, $0xb8;
	[tilespmem:$0x1F400] =	vst v63  }
0x35: {  	_ = 	snop  }
0x36: {  	[tilespmem:s28], [sflag:$0x2] =	stream.indirect.gather [hbm4b:s3+s25], $0x80, s25, s25, $0xb8;
	[tilespmem:$0x1F400] =	vst v63  }
0x37: {  	s21 =	simm.s32 $0x190  }
0x38: {  	[tilespmem:s30], [sflag:$0x3] =	stream.indirect.gather [hbm4b:s3+s25], $0x80, s21, s25, $0xb8;
	[tilespmem:$0x1F400] =	vst v63  }
0x39: {  	s22 =	simm.s32 $0x258  }
0x3a: {  	[tilespmem:s0], [sflag:$0x4] =	stream.indirect.gather [hbm4b:s3+s25], $0x80, s22, s25, $0xb8;
	[tilespmem:$0x1F400] =	vst v63  }
0x3b: {  	_ =	swait.ge [sflag:s1], $0x6400  }
0x3c: {  	s23 =	rddreg [dreg:$0x6];
	[sflag:s1] =	ssyncset.done $0x0  }
0x3d: {  	[sflag:s1] =	ssyncadd.s32 $0xFFFF9C00;
	s19 =	sadd.s32 $0x0, s23  }
0x3e: {  	[hbm4b:s19+s2] =	stream.linear.scatter [tilespmem:s26], [sflag:$0x5], $0x1900, $0x38;
	[tilespmem:$0x1F400] =	vst v63  }
0x3f: {  	s29 =	simm.s32 $0x7D00;
	s24 =	sadd.s32 $0x380, s19  }
0x40: {  	[hbm4b:s24+s2] =	stream.linear.scatter [tilespmem:s29], [sflag:$0x5], $0x1900, $0x38;
	[tilespmem:$0x1F400] =	vst v63  }
0x41: {  	s6 =	simm.s32 $0x9600;
	s21 =	rddreg [dreg:$0xc];
	s5 =	sadd.s32 $0x700, s19  }
0x42: {  	[hbm4b:s5+s2] =	stream.linear.scatter [tilespmem:s6], [sflag:$0x5], $0x1900, $0x38;
	[tilespmem:$0x1F400] =	vst v63  }
0x43: {  	s22 =	sadd.s32 $0x0, s21;
	s23 =	simm.s32 $0xAF00  }
0x44: {  	[hbm4b:s22+s2] =	stream.linear.scatter [tilespmem:s23], [sflag:$0x5], $0x1900, $0x38;
	[tilespmem:$0x1F400] =	vst v63  }
0x45: {  	_ =	swait.ge [sflag:s31], $0x1900  }
0x46: {  	[sflag:s31] =	ssyncset.done $0x0  }
0x47: {  	[sflag:s31] =	ssyncadd.s32 $0xFFFFE700  }
0x48: {  	_ =	swait.ge [sflag:s31], $0x1900  }
0x49: {  	[sflag:s31] =	ssyncset.done $0x0  }
0x4a: {  	[sflag:s31] =	ssyncadd.s32 $0xFFFFE700  }
0x4b: {  	_ =	swait.ge [sflag:s31], $0x1900  }
0x4c: {  	[sflag:s31] =	ssyncset.done $0x0  }
0x4d: {  	[sflag:s31] =	ssyncadd.s32 $0xFFFFE700  }
0x4e: {  	_ =	swait.ge [sflag:s31], $0x1900  }
0x4f: {  	[sflag:s31] =	ssyncset.done $0x0  }
0x50: {  	s24 =	simm.s32 $0x320;
	[sflag:s31] =	ssyncadd.s32 $0xFFFFE700  }
0x51: {  	[tilespmem:s26], [sflag:$0x1] =	stream.indirect.gather [hbm4b:s3+s25], $0x80, s24, s25, $0xb8;
	[tilespmem:$0x1F400] =	vst v63  }
0x52: {  	_ =	swait.ge [sflag:s4], $0x6400  }
0x53: {  	[sflag:s4] =	ssyncset.done $0x0  }
0x54: {  	s5 =	sadd.s32 $0xE00, s19;
	s29 =	rddreg [dreg:$0xb];
	[sflag:s4] =	ssyncadd.s32 $0xFFFF9C00  }
0x55: {  	[hbm4b:s5+s2] =	stream.linear.scatter [tilespmem:s28], [sflag:$0x6], $0x1900, $0x38;
	[tilespmem:$0x1F400] =	vst v63  }
0x56: {  	s22 =	simm.s32 $0xE100;
	s6 =	rddreg [dreg:$0xa];
	s20 =	sadd.s32 $0x0, s29  }
0x57: {  	[hbm4b:s20+s2] =	stream.linear.scatter [tilespmem:s22], [sflag:$0x6], $0x1900, $0x38;
	[tilespmem:$0x1F400] =	vst v63  }
0x58: {  	s24 =	simm.s32 $0xFA00;
	s23 =	rddreg [dreg:$0x9];
	s21 =	sadd.s32 $0x0, s6  }
0x59: {  	[hbm4b:s21+s2] =	stream.linear.scatter [tilespmem:s24], [sflag:$0x6], $0x1900, $0x38;
	[tilespmem:$0x1F400] =	vst v63  }
0x5a: {  	s20 =	sadd.s32 $0x0, s23  }
0x5b: {  	[hbm4b:s20+s2] =	stream.linear.scatter [tilespmem:s7], [sflag:$0x6], $0x1900, $0x38;
	[tilespmem:$0x1F400] =	vst v63  }
0x5c: {  	_ =	swait.ge [sflag:s8], $0x1900  }
0x5d: {  	[sflag:s8] =	ssyncset.done $0x0  }
0x5e: {  	[sflag:s8] =	ssyncadd.s32 $0xFFFFE700  }
0x5f: {  	_ =	swait.ge [sflag:s8], $0x1900  }
0x60: {  	[sflag:s8] =	ssyncset.done $0x0  }
0x61: {  	[sflag:s8] =	ssyncadd.s32 $0xFFFFE700  }
0x62: {  	_ =	swait.ge [sflag:s8], $0x1900  }
0x63: {  	[sflag:s8] =	ssyncset.done $0x0  }
0x64: {  	[sflag:s8] =	ssyncadd.s32 $0xFFFFE700  }
0x65: {  	_ =	swait.ge [sflag:s8], $0x1900  }
0x66: {  	[sflag:s8] =	ssyncset.done $0x0  }
0x67: {  	s29 =	simm.s32 $0x3E8;
	[sflag:s8] =	ssyncadd.s32 $0xFFFFE700  }
0x68: {  	[tilespmem:s28], [sflag:$0x2] =	stream.indirect.gather [hbm4b:s3+s25], $0x80, s29, s25, $0xb8;
	[tilespmem:$0x1F400] =	vst v63  }
0x69: {  	_ =	swait.ge [sflag:s9], $0x6400  }
0x6a: {  	[sflag:s9] =	ssyncset.done $0x0  }
0x6b: {  	s5 =	sadd.s32 $0x1C00, s19;
	[sflag:s9] =	ssyncadd.s32 $0xFFFF9C00  }
0x6c: {  	[hbm4b:s5+s2] =	stream.linear.scatter [tilespmem:s30], [sflag:$0x7], $0x1900, $0x38;
	[tilespmem:$0x1F400] =	vst v63  }
0x6d: {  	s22 =	sadd.s32 $0x1F80, s19;
	s6 =	rddreg [dreg:$0x8]  }
0x6e: {  	[hbm4b:s22+s2] =	stream.linear.scatter [tilespmem:s10], [sflag:$0x7], $0x1900, $0x38;
	[tilespmem:$0x1F400] =	vst v63  }
0x6f: {  	s23 =	rddreg [dreg:$0x7];
	s20 =	sadd.s32 $0x0, s6  }
0x70: {  	[hbm4b:s20+s2] =	stream.linear.scatter [tilespmem:s11], [sflag:$0x7], $0x1900, $0x38;
	[tilespmem:$0x1F400] =	vst v63  }
0x71: {  	s24 =	sadd.s32 $0x0, s23  }
0x72: {  	[hbm4b:s24+s2] =	stream.linear.scatter [tilespmem:s12], [sflag:$0x7], $0x1900, $0x38;
	[tilespmem:$0x1F400] =	vst v63  }
0x73: {  	_ =	swait.ge [sflag:s13], $0x1900  }
0x74: {  	[sflag:s13] =	ssyncset.done $0x0  }
0x75: {  	[sflag:s13] =	ssyncadd.s32 $0xFFFFE700  }
0x76: {  	_ =	swait.ge [sflag:s13], $0x1900  }
0x77: {  	[sflag:s13] =	ssyncset.done $0x0  }
0x78: {  	[sflag:s13] =	ssyncadd.s32 $0xFFFFE700  }
0x79: {  	_ =	swait.ge [sflag:s13], $0x1900  }
0x7a: {  	[sflag:s13] =	ssyncset.done $0x0  }
0x7b: {  	[sflag:s13] =	ssyncadd.s32 $0xFFFFE700  }
0x7c: {  	_ =	swait.ge [sflag:s13], $0x1900  }
0x7d: {  	[sflag:s13] =	ssyncset.done $0x0  }
0x7e: {  	s29 =	simm.s32 $0x4B0;
	[sflag:s13] =	ssyncadd.s32 $0xFFFFE700  }
0x7f: {  	[tilespmem:s30], [sflag:$0x3] =	stream.indirect.gather [hbm4b:s3+s25], $0x80, s29, s25, $0xb8;
	[tilespmem:$0x1F400] =	vst v63  }
0x80: {  	_ =	swait.ge [sflag:s14], $0x6400  }
0x81: {  	[sflag:s14] =	ssyncset.done $0x0  }
0x82: {  	s19 =	sadd.s32 $0x2A00, s19;
	s5 =	rddreg [dreg:$0x5];
	[sflag:s14] =	ssyncadd.s32 $0xFFFF9C00  }
0x83: {  	[hbm4b:s19+s2] =	stream.linear.scatter [tilespmem:s0], [sflag:$0x8], $0x1900, $0x38;
	[tilespmem:$0x1F400] =	vst v63  }
0x84: {  	s6 =	rddreg [dreg:$0x4];
	s22 =	sadd.s32 $0x0, s5  }
0x85: {  	[hbm4b:s22+s2] =	stream.linear.scatter [tilespmem:s15], [sflag:$0x8], $0x1900, $0x38;
	[tilespmem:$0x1F400] =	vst v63  }
0x86: {  	s23 =	rddreg [dreg:$0x3];
	s24 =	sadd.s32 $0x0, s6  }
0x87: {  	[hbm4b:s24+s2] =	stream.linear.scatter [tilespmem:s16], [sflag:$0x8], $0x1900, $0x38;
	[tilespmem:$0x1F400] =	vst v63  }
0x88: {  	s29 =	sadd.s32 $0x0, s23  }
0x89: {  	[hbm4b:s29+s2] =	stream.linear.scatter [tilespmem:s17], [sflag:$0x8], $0x1900, $0x38;
	[tilespmem:$0x1F400] =	vst v63  }
0x8a: {  	_ =	swait.ge [sflag:s18], $0x1900  }
0x8b: {  	[sflag:s18] =	ssyncset.done $0x0  }
0x8c: {  	[sflag:s18] =	ssyncadd.s32 $0xFFFFE700  }
0x8d: {  	_ =	swait.ge [sflag:s18], $0x1900  }
0x8e: {  	[sflag:s18] =	ssyncset.done $0x0  }
0x8f: {  	[sflag:s18] =	ssyncadd.s32 $0xFFFFE700  }
0x90: {  	_ =	swait.ge [sflag:s18], $0x1900  }
0x91: {  	[sflag:s18] =	ssyncset.done $0x0  }
0x92: {  	[sflag:s18] =	ssyncadd.s32 $0xFFFFE700  }
0x93: {  	_ =	swait.ge [sflag:s18], $0x1900  }
0x94: {  	s21 =	simm.s32 $0x3800;
	[sflag:s18] =	ssyncset.done $0x0  }
0x95: {  	s20 =	simm.s32 $0x578;
	s24 =	simm.s32 $0x898;
	[sflag:s18] =	ssyncadd.s32 $0xFFFFE700  }
.LBB2_2:
0x96: {  	[tilespmem:s0], [sflag:$0x4] =	stream.indirect.gather [hbm4b:s3+s25], $0x80, s20, s25, $0xb8;
	[tilespmem:$0x1F400] =	vst v63  }
0x97: {  	_ =	swait.ge [sflag:s1], $0x6400  }
0x98: {  	s19 =	smov.u32 s21;
	s22 =	rddreg [dreg:$0x6];
	[sflag:s1] =	ssyncset.done $0x0  }
0x99: {  	[sflag:s1] =	ssyncadd.s32 $0xFFFF9C00;
	s22 =	sadd.s32 s19, s22  }
0x9a: {  	[hbm4b:s22+s2] =	stream.linear.scatter [tilespmem:s26], [sflag:$0x5], $0x1900, $0x38;
	[tilespmem:$0x1F400] =	vst v63  }
0x9b: {  	s5 =	simm.s32 $0x7D00;
	s23 =	sadd.s32 $0x380, s22  }
0x9c: {  	[hbm4b:s23+s2] =	stream.linear.scatter [tilespmem:s5], [sflag:$0x5], $0x1900, $0x38;
	[tilespmem:$0x1F400] =	vst v63  }
0x9d: {  	s6 =	simm.s32 $0x9600;
	s29 =	rddreg [dreg:$0xc];
	s5 =	sadd.s32 $0x700, s22  }
0x9e: {  	[hbm4b:s5+s2] =	stream.linear.scatter [tilespmem:s6], [sflag:$0x5], $0x1900, $0x38;
	[tilespmem:$0x1F400] =	vst v63  }
0x9f: {  	s6 =	sadd.s32 s19, s29;
	s29 =	simm.s32 $0xAF00  }
0xa0: {  	[hbm4b:s6+s2] =	stream.linear.scatter [tilespmem:s29], [sflag:$0x5], $0x1900, $0x38;
	[tilespmem:$0x1F400] =	vst v63  }
0xa1: {  	_ =	swait.ge [sflag:s31], $0x1900  }
0xa2: {  	[sflag:s31] =	ssyncset.done $0x0  }
0xa3: {  	[sflag:s31] =	ssyncadd.s32 $0xFFFFE700  }
0xa4: {  	_ =	swait.ge [sflag:s31], $0x1900  }
0xa5: {  	[sflag:s31] =	ssyncset.done $0x0  }
0xa6: {  	[sflag:s31] =	ssyncadd.s32 $0xFFFFE700  }
0xa7: {  	_ =	swait.ge [sflag:s31], $0x1900  }
0xa8: {  	[sflag:s31] =	ssyncset.done $0x0  }
0xa9: {  	[sflag:s31] =	ssyncadd.s32 $0xFFFFE700  }
0xaa: {  	_ =	swait.ge [sflag:s31], $0x1900  }
0xab: {  	[sflag:s31] =	ssyncset.done $0x0  }
0xac: {  	s5 =	sadd.s32 $0xFFFFFDA8, s24;
	[sflag:s31] =	ssyncadd.s32 $0xFFFFE700  }
0xad: {  	[tilespmem:s26], [sflag:$0x1] =	stream.indirect.gather [hbm4b:s3+s25], $0x80, s5, s25, $0xb8;
	[tilespmem:$0x1F400] =	vst v63  }
0xae: {  	_ =	swait.ge [sflag:s4], $0x6400  }
0xaf: {  	[sflag:s4] =	ssyncset.done $0x0  }
0xb0: {  	s6 =	sadd.s32 $0xE00, s22;
	s23 =	rddreg [dreg:$0xb];
	[sflag:s4] =	ssyncadd.s32 $0xFFFF9C00  }
0xb1: {  	[hbm4b:s6+s2] =	stream.linear.scatter [tilespmem:s28], [sflag:$0x6], $0x1900, $0x38;
	[tilespmem:$0x1F400] =	vst v63  }
0xb2: {  	s5 =	rddreg [dreg:$0xa];
	s23 =	sadd.s32 s19, s23;
	s6 =	simm.s32 $0xE100  }
0xb3: {  	[hbm4b:s23+s2] =	stream.linear.scatter [tilespmem:s6], [sflag:$0x6], $0x1900, $0x38;
	[tilespmem:$0x1F400] =	vst v63  }
0xb4: {  	s29 =	rddreg [dreg:$0x9];
	s5 =	sadd.s32 s19, s5;
	s23 =	simm.s32 $0xFA00  }
0xb5: {  	[hbm4b:s5+s2] =	stream.linear.scatter [tilespmem:s23], [sflag:$0x6], $0x1900, $0x38;
	[tilespmem:$0x1F400] =	vst v63  }
0xb6: {  	s6 =	sadd.s32 s19, s29  }
0xb7: {  	[hbm4b:s6+s2] =	stream.linear.scatter [tilespmem:s7], [sflag:$0x6], $0x1900, $0x38;
	[tilespmem:$0x1F400] =	vst v63  }
0xb8: {  	_ =	swait.ge [sflag:s8], $0x1900  }
0xb9: {  	[sflag:s8] =	ssyncset.done $0x0  }
0xba: {  	[sflag:s8] =	ssyncadd.s32 $0xFFFFE700  }
0xbb: {  	_ =	swait.ge [sflag:s8], $0x1900  }
0xbc: {  	[sflag:s8] =	ssyncset.done $0x0  }
0xbd: {  	[sflag:s8] =	ssyncadd.s32 $0xFFFFE700  }
0xbe: {  	_ =	swait.ge [sflag:s8], $0x1900  }
0xbf: {  	[sflag:s8] =	ssyncset.done $0x0  }
0xc0: {  	[sflag:s8] =	ssyncadd.s32 $0xFFFFE700  }
0xc1: {  	_ =	swait.ge [sflag:s8], $0x1900  }
0xc2: {  	[sflag:s8] =	ssyncset.done $0x0  }
0xc3: {  	s23 =	sadd.s32 $0xFFFFFE70, s24;
	[sflag:s8] =	ssyncadd.s32 $0xFFFFE700  }
0xc4: {  	[tilespmem:s28], [sflag:$0x2] =	stream.indirect.gather [hbm4b:s3+s25], $0x80, s23, s25, $0xb8;
	[tilespmem:$0x1F400] =	vst v63  }
0xc5: {  	_ =	swait.ge [sflag:s9], $0x6400  }
0xc6: {  	[sflag:s9] =	ssyncset.done $0x0  }
0xc7: {  	s29 =	sadd.s32 $0x1C00, s22;
	[sflag:s9] =	ssyncadd.s32 $0xFFFF9C00  }
0xc8: {  	[hbm4b:s29+s2] =	stream.linear.scatter [tilespmem:s30], [sflag:$0x7], $0x1900, $0x38;
	[tilespmem:$0x1F400] =	vst v63  }
0xc9: {  	s5 =	sadd.s32 $0x1F80, s22;
	s23 =	rddreg [dreg:$0x8]  }
0xca: {  	[hbm4b:s5+s2] =	stream.linear.scatter [tilespmem:s10], [sflag:$0x7], $0x1900, $0x38;
	[tilespmem:$0x1F400] =	vst v63  }
0xcb: {  	s6 =	rddreg [dreg:$0x7];
	s23 =	sadd.s32 s19, s23  }
0xcc: {  	[hbm4b:s23+s2] =	stream.linear.scatter [tilespmem:s11], [sflag:$0x7], $0x1900, $0x38;
	[tilespmem:$0x1F400] =	vst v63  }
0xcd: {  	s29 =	sadd.s32 s19, s6  }
0xce: {  	[hbm4b:s29+s2] =	stream.linear.scatter [tilespmem:s12], [sflag:$0x7], $0x1900, $0x38;
	[tilespmem:$0x1F400] =	vst v63  }
0xcf: {  	_ =	swait.ge [sflag:s13], $0x1900  }
0xd0: {  	[sflag:s13] =	ssyncset.done $0x0  }
0xd1: {  	[sflag:s13] =	ssyncadd.s32 $0xFFFFE700  }
0xd2: {  	_ =	swait.ge [sflag:s13], $0x1900  }
0xd3: {  	[sflag:s13] =	ssyncset.done $0x0  }
0xd4: {  	[sflag:s13] =	ssyncadd.s32 $0xFFFFE700  }
0xd5: {  	_ =	swait.ge [sflag:s13], $0x1900  }
0xd6: {  	[sflag:s13] =	ssyncset.done $0x0  }
0xd7: {  	[sflag:s13] =	ssyncadd.s32 $0xFFFFE700  }
0xd8: {  	_ =	swait.ge [sflag:s13], $0x1900  }
0xd9: {  	[sflag:s13] =	ssyncset.done $0x0  }
0xda: {  	s6 =	sadd.s32 $0xFFFFFF38, s24;
	[sflag:s13] =	ssyncadd.s32 $0xFFFFE700  }
0xdb: {  	[tilespmem:s30], [sflag:$0x3] =	stream.indirect.gather [hbm4b:s3+s25], $0x80, s6, s25, $0xb8;
	[tilespmem:$0x1F400] =	vst v63  }
0xdc: {  	_ =	swait.ge [sflag:s14], $0x6400  }
0xdd: {  	[sflag:s14] =	ssyncset.done $0x0  }
0xde: {  	s22 =	sadd.s32 $0x2A00, s22;
	s23 =	rddreg [dreg:$0x5];
	[sflag:s14] =	ssyncadd.s32 $0xFFFF9C00  }
0xdf: {  	[hbm4b:s22+s2] =	stream.linear.scatter [tilespmem:s0], [sflag:$0x8], $0x1900, $0x38;
	[tilespmem:$0x1F400] =	vst v63  }
0xe0: {  	s29 =	rddreg [dreg:$0x4];
	s5 =	sadd.s32 s19, s23  }
0xe1: {  	[hbm4b:s5+s2] =	stream.linear.scatter [tilespmem:s15], [sflag:$0x8], $0x1900, $0x38;
	[tilespmem:$0x1F400] =	vst v63  }
0xe2: {  	s6 =	rddreg [dreg:$0x3];
	s23 =	sadd.s32 s19, s29  }
0xe3: {  	[hbm4b:s23+s2] =	stream.linear.scatter [tilespmem:s16], [sflag:$0x8], $0x1900, $0x38;
	[tilespmem:$0x1F400] =	vst v63  }
0xe4: {  	s29 =	sadd.s32 s19, s6  }
0xe5: {  	[hbm4b:s29+s2] =	stream.linear.scatter [tilespmem:s17], [sflag:$0x8], $0x1900, $0x38;
	[tilespmem:$0x1F400] =	vst v63  }
0xe6: {  	_ =	swait.ge [sflag:s18], $0x1900  }
0xe7: {  	[sflag:s18] =	ssyncset.done $0x0  }
0xe8: {  	[sflag:s18] =	ssyncadd.s32 $0xFFFFE700  }
0xe9: {  	_ =	swait.ge [sflag:s18], $0x1900  }
0xea: {  	[sflag:s18] =	ssyncset.done $0x0  }
0xeb: {  	[sflag:s18] =	ssyncadd.s32 $0xFFFFE700  }
0xec: {  	p0 =	sne.s32 s21, $0x69000;
	_ =	swait.ge [sflag:s18], $0x1900  }
.Ltmp0:
0xed: {  	[sflag:s18] =	ssyncset.done $0x0;
	(pc) =	sbr.rel @p0 .LBB2_2-.Ltmp0, $4  }
0xee: {  	[sflag:s18] =	ssyncadd.s32 $0xFFFFE700  }
0xef: {  	_ =	swait.ge [sflag:s18], $0x1900  }
0xf0: {  	s20 =	smov.u32 s24;
	[sflag:s18] =	ssyncset.done $0x0  }
0xf1: {  	s21 =	sadd.s32 $0x3800, s21;
	s24 =	sadd.s32 $0x320, s24;
	[sflag:s18] =	ssyncadd.s32 $0xFFFFE700  }
0xf2: {  	[tilespmem:s0], [sflag:$0x4] =	stream.indirect.gather [hbm4b:s3+s25], $0x80, s20, s25, $0xb8;
	[tilespmem:$0x1F400] =	vst v63  }
0xf3: {  	_ =	swait.ge [sflag:s1], $0x6400  }
0xf4: {  	[sflag:s1] =	ssyncset.done $0x0  }
0xf5: {  	s5 =	rddreg [dreg:$0xe];
	[sflag:s1] =	ssyncadd.s32 $0xFFFF9C00  }
0xf6: {  	[hbm4b:s5+s2] =	stream.linear.scatter [tilespmem:s26], [sflag:$0x5], $0x1900, $0x38;
	[tilespmem:$0x1F400] =	vst v63  }
0xf7: {  	s19 =	simm.s32 $0x7D00;
	s22 =	rddreg [dreg:$0xf]  }
0xf8: {  	[hbm4b:s22+s2] =	stream.linear.scatter [tilespmem:s19], [sflag:$0x5], $0x1900, $0x38;
	[tilespmem:$0x1F400] =	vst v63  }
0xf9: {  	s24 =	simm.s32 $0x9600;
	s23 =	rddreg [dreg:$0x10]  }
0xfa: {  	[hbm4b:s23+s2] =	stream.linear.scatter [tilespmem:s24], [sflag:$0x5], $0x1900, $0x38;
	[tilespmem:$0x1F400] =	vst v63  }
0xfb: {  	s6 =	simm.s32 $0xAF00;
	s29 =	rddreg [dreg:$0x11]  }
0xfc: {  	[hbm4b:s29+s2] =	stream.linear.scatter [tilespmem:s6], [sflag:$0x5], $0x1900, $0x38;
	[tilespmem:$0x1F400] =	vst v63  }
0xfd: {  	_ =	swait.ge [sflag:s4], $0x6400  }
0xfe: {  	[sflag:s4] =	ssyncset.done $0x0  }
0xff: {  	s19 =	rddreg [dreg:$0x12];
	[sflag:s4] =	ssyncadd.s32 $0xFFFF9C00  }
0x100: {  	[hbm4b:s19+s2] =	stream.linear.scatter [tilespmem:s28], [sflag:$0x6], $0x1900, $0x38;
	[tilespmem:$0x1F400] =	vst v63  }
0x101: {  	s6 =	simm.s32 $0xE100;
	s20 =	rddreg [dreg:$0x13]  }
0x102: {  	[hbm4b:s20+s2] =	stream.linear.scatter [tilespmem:s6], [sflag:$0x6], $0x1900, $0x38;
	[tilespmem:$0x1F400] =	vst v63  }
0x103: {  	s22 =	simm.s32 $0xFA00;
	s21 =	rddreg [dreg:$0x14]  }
0x104: {  	[hbm4b:s21+s2] =	stream.linear.scatter [tilespmem:s22], [sflag:$0x6], $0x1900, $0x38;
	[tilespmem:$0x1F400] =	vst v63  }
0x105: {  	s23 =	rddreg [dreg:$0x15]  }
0x106: {  	[hbm4b:s23+s2] =	stream.linear.scatter [tilespmem:s7], [sflag:$0x6], $0x1900, $0x38;
	[tilespmem:$0x1F400] =	vst v63  }
0x107: {  	_ =	swait.ge [sflag:s9], $0x6400  }
0x108: {  	[sflag:s9] =	ssyncset.done $0x0  }
0x109: {  	s24 =	rddreg [dreg:$0x16];
	[sflag:s9] =	ssyncadd.s32 $0xFFFF9C00  }
0x10a: {  	[hbm4b:s24+s2] =	stream.linear.scatter [tilespmem:s30], [sflag:$0x7], $0x1900, $0x38;
	[tilespmem:$0x1F400] =	vst v63  }
0x10b: {  	s29 =	rddreg [dreg:$0x17]  }
0x10c: {  	[hbm4b:s29+s2] =	stream.linear.scatter [tilespmem:s10], [sflag:$0x7], $0x1900, $0x38;
	[tilespmem:$0x1F400] =	vst v63  }
0x10d: {  	s6 =	rddreg [dreg:$0x18]  }
0x10e: {  	[hbm4b:s6+s2] =	stream.linear.scatter [tilespmem:s11], [sflag:$0x7], $0x1900, $0x38;
	[tilespmem:$0x1F400] =	vst v63  }
0x10f: {  	s19 =	rddreg [dreg:$0x19]  }
0x110: {  	[hbm4b:s19+s2] =	stream.linear.scatter [tilespmem:s12], [sflag:$0x7], $0x1900, $0x38;
	[tilespmem:$0x1F400] =	vst v63  }
0x111: {  	_ =	swait.ge [sflag:s14], $0x6400  }
0x112: {  	[sflag:s14] =	ssyncset.done $0x0  }
0x113: {  	s20 =	rddreg [dreg:$0x1a];
	[sflag:s14] =	ssyncadd.s32 $0xFFFF9C00  }
0x114: {  	[hbm4b:s20+s2] =	stream.linear.scatter [tilespmem:s0], [sflag:$0x8], $0x1900, $0x38;
	[tilespmem:$0x1F400] =	vst v63  }
0x115: {  	s21 =	rddreg [dreg:$0x1b]  }
0x116: {  	[hbm4b:s21+s2] =	stream.linear.scatter [tilespmem:s15], [sflag:$0x8], $0x1900, $0x38;
	[tilespmem:$0x1F400] =	vst v63  }
0x117: {  	s22 =	rddreg [dreg:$0x1c]  }
0x118: {  	[hbm4b:s22+s2] =	stream.linear.scatter [tilespmem:s16], [sflag:$0x8], $0x1900, $0x38;
	[tilespmem:$0x1F400] =	vst v63  }
0x119: {  	s23 =	rddreg [dreg:$0x1d]  }
0x11a: {  	[hbm4b:s23+s2] =	stream.linear.scatter [tilespmem:s17], [sflag:$0x8], $0x1900, $0x38;
	[tilespmem:$0x1F400] =	vst v63  }
0x11b: {  	_ =	swait.ge [sflag:s31], $0x1900  }
0x11c: {  	[sflag:s31] =	ssyncset.done $0x0  }
0x11d: {  	[sflag:s31] =	ssyncadd.s32 $0xFFFFE700  }
0x11e: {  	_ =	swait.ge [sflag:s31], $0x1900  }
0x11f: {  	[sflag:s31] =	ssyncset.done $0x0  }
0x120: {  	[sflag:s31] =	ssyncadd.s32 $0xFFFFE700  }
0x121: {  	_ =	swait.ge [sflag:s31], $0x1900  }
0x122: {  	[sflag:s31] =	ssyncset.done $0x0  }
0x123: {  	[sflag:s31] =	ssyncadd.s32 $0xFFFFE700  }
0x124: {  	_ =	swait.ge [sflag:s31], $0x1900  }
0x125: {  	[sflag:s31] =	ssyncset.done $0x0  }
0x126: {  	[sflag:s31] =	ssyncadd.s32 $0xFFFFE700  }
0x127: {  	_ =	swait.ge [sflag:s8], $0x1900  }
0x128: {  	[sflag:s8] =	ssyncset.done $0x0  }
0x129: {  	[sflag:s8] =	ssyncadd.s32 $0xFFFFE700  }
0x12a: {  	_ =	swait.ge [sflag:s8], $0x1900  }
0x12b: {  	[sflag:s8] =	ssyncset.done $0x0  }
0x12c: {  	[sflag:s8] =	ssyncadd.s32 $0xFFFFE700  }
0x12d: {  	_ =	swait.ge [sflag:s8], $0x1900  }
0x12e: {  	[sflag:s8] =	ssyncset.done $0x0  }
0x12f: {  	[sflag:s8] =	ssyncadd.s32 $0xFFFFE700  }
0x130: {  	_ =	swait.ge [sflag:s8], $0x1900  }
0x131: {  	[sflag:s8] =	ssyncset.done $0x0  }
0x132: {  	[sflag:s8] =	ssyncadd.s32 $0xFFFFE700  }
0x133: {  	_ =	swait.ge [sflag:s13], $0x1900  }
0x134: {  	[sflag:s13] =	ssyncset.done $0x0  }
0x135: {  	[sflag:s13] =	ssyncadd.s32 $0xFFFFE700  }
0x136: {  	_ =	swait.ge [sflag:s13], $0x1900  }
0x137: {  	[sflag:s13] =	ssyncset.done $0x0  }
0x138: {  	[sflag:s13] =	ssyncadd.s32 $0xFFFFE700  }
0x139: {  	_ =	swait.ge [sflag:s13], $0x1900  }
0x13a: {  	[sflag:s13] =	ssyncset.done $0x0  }
0x13b: {  	[sflag:s13] =	ssyncadd.s32 $0xFFFFE700  }
0x13c: {  	_ =	swait.ge [sflag:s13], $0x1900  }
0x13d: {  	[sflag:s13] =	ssyncset.done $0x0  }
0x13e: {  	[sflag:s13] =	ssyncadd.s32 $0xFFFFE700  }
0x13f: {  	_ =	swait.ge [sflag:s18], $0x1900  }
0x140: {  	[sflag:s18] =	ssyncset.done $0x0  }
0x141: {  	[sflag:s18] =	ssyncadd.s32 $0xFFFFE700  }
0x142: {  	_ =	swait.ge [sflag:s18], $0x1900  }
0x143: {  	[sflag:s18] =	ssyncset.done $0x0  }
0x144: {  	[sflag:s18] =	ssyncadd.s32 $0xFFFFE700  }
0x145: {  	_ =	swait.ge [sflag:s18], $0x1900  }
0x146: {  	[sflag:s18] =	ssyncset.done $0x0  }
0x147: {  	[sflag:s18] =	ssyncadd.s32 $0xFFFFE700  }
0x148: {  	_ =	swait.ge [sflag:s18], $0x1900  }
0x149: {  	s24 =	rddreg [dreg:$0x1f]  }
0x14a: {  	s29 =	rddreg [dreg:$0x1e];
	s6 =	sadd.s32 $0x1, s24  }
0x14b: {  	p0 =	sne.s32 s6, s29  }
.Ltmp1:
0x14c: {  	_ = 	snop;
	(pc) =	sbr.rel @p0 .LBB2_1-.Ltmp1, $3  }
0x14d: {  	_ =	sdelay $0x1  }
0x14e: {  	[sflag:s18] =	ssyncset.done $0x0  }
0x14f: {  	[sflag:s18] =	ssyncadd.s32 $0xFFFFE700  }
0x150: {  	_ =	sfence.sel $0x180000  }
0x151: {  	[bflag:$0x0] =	sbarrier.arrive $0xFFFF  }
0x152: {  	_ =	strace $0x90000047  }
0x153: {  	s0 =	stileid.u32;
	[bflag:$0x2] =	sbarrier.arrive $0xFFFF  }
0x154: {  	p0 =	sne.s32 s0, $0x0;
	s0 =	rddreg [dreg:$0x2]  }
0x155: {  	s0 =	sadd.s32 @!p0 $0x100000, s0  }
0x156: {  	[sflag:s0] =	ssyncadd.tile.s32 @!p0 $0x1;
	_ =	shalt  }
.Lfunc_end2:
_tile_overlayer_lowered:
.L_overlay_start_2:
0x157: {  	(tag) =	ssettag $0x2  }
0x158: {  	s0 =	rddreg [dreg:$0x0];
	s2 =	stileid.u32  }
0x159: {  	s1 =	rddreg [dreg:$0x1];
	p0 =	sne.s32 s2, $0x0  }
0x15a: {  	s3 =	rddreg [dreg:$0x2];
	[bflag:$0x3] =	sbarrier.arrive $0xFFFF;
	s2 =	simm.s32 @!p0 $0x1C09  }
0x15b: {  	[timem:s3], [sflag:s2] =	dma.local @!p0 [hbm:s0], s1  }
0x15c: {  	s0 =	simm.s32 @!p0 $0x9  }
0x15d: {  	_ =	swait.ge @!p0 [sflag:s0], s1  }
0x15e: {  	s1 =	ssub.s32 @!p0 $0x0, s1;
	[sflag:s0] =	ssyncset.done @!p0 $0x0  }
0x15f: {  	[sflag:s0] =	ssyncadd.s32 @!p0 s1  }
0x160: {  	[bflag:$0x3] =	sbarrier.arrive $0xFFFF  }
0x161: {  	_ =	shalt  }

// kernel: sparse-core-data-format-call.cloned.1.call-start
scs
called_computation_lowered:
.L_overlay_start_0:
0x0: {  	s2 =	sld [smem:$0x3FD9]  }
0x1: {  	s3 =	sld [smem:$0x3FFE];
	_ =	sdelay $0x1  }
0x2: {  	s1 =	srdreg.scid  }
0x3: {  	s0 =	sand.u32 $0x1, s1  }
0x4: {  	s18 =	sshll.u32 s0, $0xA;
	s2 =	sadd.s32 s3, s2  }
0x5: {  	s2 =	sadd.s32 s2, s18  }
0x6: {  	[smem:$0x3FC6] =	sst s2  }
0x7: {  	_ = 	snop  }
0x8: {  	s2 =	sld [smem:$0x3FD0];
	(tm) =	ssettm $0x1  }
0x9: {  	s19 =	sld [smem:$0x3FFB];
	_ =	sdelay $0x3  }
0xa: {  	_ =	strace s19  }
0xb: {  	s3 =	sld [smem:$0x3FFC];
	_ =	sdelay $0x3  }
0xc: {  	_ =	strace s3  }
0xd: {  	s3 =	sld [smem:$0x3FFD];
	_ =	sdelay $0x3  }
0xe: {  	_ =	strace s3  }
0xf: {  	_ =	strace $0x8FFFFFFF  }
0x10: {  	s20 =	sld [smem:$0x3FDB];
	_ =	sdelay $0x1  }
0x11: {  	s4 =	simm.s32 $_scs_section_size  }
0x12: {  	s5 =	simm.s32 $_size__tile_overlayer_lowered;
	s6 =	simm.s32 $_tile_overlayer_lowered  }
0x13: {  	s23 =	simm.s32 $0x1BFF;
	s22 =	sshll.u32 s6, $0x1;
	s3 =	sadd.s32 s4, s20  }
0x14: {  	s7 =	simm.s32 $0x0;
	s21 =	sshll.u32 s5, $0x1;
	s5 =	sadd.s32 s22, s3  }
0x15: {  	[timem:s7], [sflag:s23] =	dma.local [hbm:s5], s21  }
0x16: {  	_ =	swait.ge [sflag:s23], s21  }
0x17: {  	s4 =	ssub.s32 $0x0, s21;
	[sflag:s23] =	ssyncset.done $0x0  }
0x18: {  	[sflag:s23] =	ssyncadd.s32 s4;
	_ =	sdelay $0x1  }
0x19: {  	s24 =	simm.s32 $0x1B8B  }
0x1a: {  	_ =	swait.ge [sflag:s24], $0x1  }
0x1b: {  	[sflag:s24] =	ssyncset.done $0x0  }
0x1c: {  	s26 =	simm.s32 $0x1B8E;
	s25 =	sld [smem:$0x3FFE];
	[sflag:s24] =	ssyncadd.s32 $0xFFFFFFFF  }
0x1d: {  	s27 =	simm.s32 $execute0_lowered;
	[smem:$0x3FD2] =	sst s26  }
0x1e: {  	s5 =	sshll.u32 s27, $0x1;
	_ =	strace $0x80000049;
	[dreg:$0x1] =	wrdreg $0xFFFFFFFF  }
0x1f: {  	s28 =	simm.s32 $_size_execute0_lowered;
	s3 =	sadd.s32 s3, s5;
	[dreg:$0x0] =	wrdreg $0x0  }
0x20: {  	s5 =	sshll.u32 s28, $0x1;
	[dreg:$0x2] =	wrdreg s3  }
0x21: {  	[dreg:$0x3] =	wrdreg s5  }
0x22: {  	[dreg:$0x4] =	wrdreg $0xC0  }
0x23: {  	_ =	task [dreg:s7], $0x5FFFF  }
0x24: {  	[dreg:$0x1] =	wrdreg $0xFFFFFFFF  }
0x25: {  	[dreg:$0x0] =	wrdreg $0x60  }
0x26: {  	[dreg:$0x2] =	wrdreg s25  }
0x27: {  	[dreg:$0x3] =	wrdreg s2  }
0x28: {  	[dreg:$0x4] =	wrdreg $0x9  }
0x29: {  	_ =	task.clear_ibuf [dreg:s7], $0x5FFFF;
	_ =	strace $0x90000049  }
0x2a: {  	s29 =	simm.s32 $0x9;
	_ =	strace $0x8000004B  }
0x2b: {  	_ =	swait.ge [sflag:s29], $0x1  }
0x2c: {  	[sflag:s29] =	ssyncadd.s32 $0xFFFFFFFF  }
0x2d: {  	_ =	strace $0x9000004B  }
0x2e: {  	_ =	sfence  }
0x2f: {  	s30 =	sld [smem:$0x0];
	_ =	sdelay $0x2  }
0x30: {  	s31 =	sshll.u32 s1, $0xD;
	s1 =	sshrl.u32 s1, $0x2  }
0x31: {  	s3 =	sand.u32 $0x4000, s31;
	s1 =	sadd.s32 s1, s30  }
0x32: {  	s0 =	sor.u32 s3, s0;
	s1 =	sshll.u32 s1, $0x11  }
0x33: {  	s0 =	sor.u32 s1, s0  }
0x34: {  	s0 =	sadd.s32 $0x8F2B, s0  }
0x35: {  	[sflag:s0] =	ssyncadd.remote.s32 $0x1  }
0x36: {  	_ =	sfence.sel $0xFFFF  }
0x37: {  	[dreg:$0x0] =	wrdreg $0xFFFFFFFF;
	(pc) =	sbr.abs _section_cstart, $3  }
0x38: {  	[dreg:$0x1] =	wrdreg $0xFFFFFFFF  }
0x39: {  	_ =	task.clear_ibuf [dreg:s7], $0x2FFFF;
	_ =	strace $0x9FFFFFFF  }
0x3a: {  	(tm) =	ssettm $0x7FFFFFFF  }
0x3b: {  	_ =	shalt  }
tec
execute0_lowered:
.L_overlay_start_1:
0x0: {  	(tag) =	ssettag $0x1  }
0x1: {  	s0 =	srdreg.scid  }
0x2: {  	s1 =	sshll.u32 s0, $0x4  }
0x3: {  	s0 =	stileid.u32;
	s1 =	sand.u32 $0x10, s1  }
0x4: {  	s1 =	sor.u32 s0, s1  }
0x5: {  	s6 =	rddreg [dreg:$0x0];
	s4 =	simm.s32 $0x1;
	s2 =	sshll.u32 s1, $0x7  }
0x6: {  	s7 =	simm.s32 $0x2;
	s12 =	simm.s32 $0x0;
	s1 =	ssub.s32 $0x4000, s2  }
0x7: {  	s8 =	simm.s32 $0x20000;
	s13 =	simm.s32 $0x0;
	s3 =	sand.u32 $0xF80, s1  }
0x8: {  	s9 =	simm.s32 $0x0;
	s5 =	sshrl.u32 s1, $0xC;
	p0 =	sne.s32 s3, $0x0  }
.Ltmp0:
0x9: {  	s1 =	rddreg [dreg:$0x2];
	s4 =	simm.s32 @!p0 $0x0;
	(pc) =	sbr.rel .LBB1_1-.Ltmp0, $4  }
0xa: {  	s11 =	simm.s32 $0x0;
	s3 =	rddreg [dreg:$0x1];
	s5 =	sadd.s32 s4, s5  }
0xb: {  	_ =	strace $0x8000004A;
	s4 =	simm.s32 $0x1;
	s5 =	smul.u32 $0x32, s5  }
0xc: {  	s6 =	sadd.s32 $0xF42C00, s6;
	s10 =	smov.u32 s2;
	[sflag:s4] =	ssyncpa.u1 $0x0  }
0xd: {  	p0 =	por $0x0, $0x0;
	[sflag:s7] =	ssyncpa.u1 $0x0;
	s7 =	sor.u32 $0x1, s5  }
.LBB1_4:
0xe: {  	s16 =	sshll.u32 s13, $0x3;
	s17 =	sand.u32 $0x78, s13  }
0xf: {  	s30 =	sand.u32 $0x1F800, s13;
	s12 =	sshll.u32 s12, $0x11;
	s16 =	sand.u32 $0x3C00, s16  }
0x10: {  	[tilespmem:s15+$0x810 ss:$0x81] =	vst.msk $0xffff, v2;
	s31 =	sand.u32 $0x7, s13;
	s16 =	sor.u32 s17, s16;
	s17 =	sadd.s32 s3, s30  }
0x11: {  	[tilespmem:s15+$0x1020 ss:$0x81] =	vst.msk $0xffff, v0;
	s13 =	sshll.u32 s31, $0x12;
	s12 =	sadd.s32 s12, s17;
	s16 =	sshrl.u32 s16, $0x3  }
0x12: {  	[tilespmem:s15+$0x0 ss:$0x81] =	vst.msk $0xffff, v1;
	s13 =	sor.u32 $0x400, s13;
	s12 =	sadd.s32 s16, s12  }
0x13: {  	[hbm4b:s12+s13] =	stream.strided.scatter [tilespmem:s14], [sflag:$0x2], $0x2000, s8, s13, $0x20;
	[tilespmem:$0x8080] =	vst v63  }
.LBB1_5:
0x14: {  	s14 =	sadd.s32 $0x1, s9  }
0x15: {  	s12 =	sadd.s32 $0x1000, s10;
	s16 =	smov.u32 s10;
	p2 =	sgt.s32 s14, $0x31  }
0x16: {  	s16 =	smov.u32 @p2 s12  }
0x17: {  	s14 =	simm.s32 @p2 $0x0;
	p2 =	sgt.s32 s16, $0x3FFF  }
0x18: {  	s16 =	smov.u32 @p2 s2;
	p2 =	sne.s32 s11, s7  }
.Ltmp1:
0x19: {  	p1 =	slt.u32 s11, $0x2;
	(pc) =	sbr.rel @!p2 .LBB1_6-.Ltmp1, $4  }
0x1a: {  	s15 =	simm.s32 @!p1 $0x2  }
0x1b: {  	s13 =	smov.u32 s10;
	p0 =	por !p0, !p0;
	_ =	swait.ge @!p1 [sflag:s15], $0x2000  }
0x1c: {  	s12 =	smov.u32 s9;
	[sflag:s15] =	ssyncset.done @!p1 $0x0;
	s9 =	smov.u32 s14  }
0x1d: {  	s11 =	sadd.s32 $0x1, s11;
	[sflag:s15] =	ssyncadd.s32 @!p1 $0xFFFFE000;
	s10 =	smov.u32 s16  }
.LBB1_1:
0x1e: {  	p1 =	sge.u32 s11, s5  }
0x1f: {  	s14 =	sand.u32 @!p1 $0x1FFFFFF, s9  }
0x20: {  	s15 =	smulhi.u32 @!p1 $0x4924925, s14;
	_ =	sdelay $0x1  }
0x21: {  	s15 =	smul.u32 @!p1 $0x38, s15  }
0x22: {  	s16 =	sxor.u32 @!p1 $0xFFFFFFFF, s11;
	s17 =	smul.u32 @!p1 $0x380, s10  }
0x23: {  	s31 =	sadd.s32 $0xFFFFFFFF, s11;
	s16 =	sshll.u32 @!p1 s16, $0xD;
	s14 =	ssub.s32 @!p1 s14, s15  }
0x24: {  	s15 =	sand.u32 @!p1 $0x2000, s16;
	s16 =	sadd.s32 @!p1 s6, s17;
	s14 =	sshll.u32 @!p1 s14, $0x4  }
0x25: {  	s17 =	simm.s32 @!p1 $0x1C00;
	s14 =	sadd.s32 @!p1 s14, s16;
	s16 =	simm.s32 @!p1 $0x40  }
0x26: {  	[tilespmem:s15], [sflag:$0x1] =	stream.strided.gather @!p1 [hbm4b:s14+s16], $0x2000, s17, s16, $0x38;
	[tilespmem:$0x8080] =	vst v63  }
0x27: {  	p1 =	sge.u32 s31, s5  }
.Ltmp2:
0x28: {  	_ = 	snop;
	(pc) =	sbr.rel @p1 .LBB1_5-.Ltmp2, $1  }
0x29: {  	_ =	sdelay $0x3  }
0x2a: {  	s14 =	simm.s32 $0x1  }
0x2b: {  	_ =	swait.ge [sflag:s4], $0x2000;
	s14 =	simm.s32 @!p0 $0x0  }
0x2c: {  	[sflag:s4] =	ssyncset.done $0x0;
	s15 =	sshll.u32 s14, $0xD  }
0x2d: {  	[sflag:s4] =	ssyncadd.s32 $0xFFFFE000;
	s18 =	sor.u32 $0x20, s15  }
0x2e: {  	s14 =	smul.u32 $0x8100, s14;
	v3 =	vld [tilespmem:s18+$0x10]  }
0x2f: {  	s30 =	sand.u32 $0x1, s11;
	v2 =	vld [tilespmem:s18+$0xFFFFFFF0]  }
0x30: {  	s15 =	smul.u32 $0x8100, s30;
	s14 =	sshrl.u32 s14, $0x2;
	v0 =	vld [tilespmem:s18+$0x0]  }
0x31: {  	v1 =	vld [tilespmem:s18+$0xFFFFFFE0];
	s16 =	sor.u32 $0x4000, s14  }
0x32: {  	s31 =	sshrl.u32 s15, $0x2;
	s15 =	sadd.s32 $0x0, s16  }
0x33: {  	s17 =	simm.s32 $0x4;
	s18 =	sadd.s32 $0x40, s18;
	s14 =	sor.u32 $0x4000, s31;
	[tilespmem:s15+$0x1830 ss:$0x81] =	vst.msk $0xffff, v3  }
.LBB1_3:
0x34: {  	v3 =	vld [tilespmem:s18+$0x10];
	p1 =	sne.s32 s17, $0x1FC;
	[tilespmem:s15+$0x810 ss:$0x81] =	vst.msk $0xffff, v2;
	s19 =	smov.u32 s17;
	s17 =	sadd.s32 $0x4, s17  }
.Ltmp3:
0x35: {  	v2 =	vld [tilespmem:s18+$0xFFFFFFF0];
	[tilespmem:s15+$0x1020 ss:$0x81] =	vst.msk $0xffff, v0;
	(pc) =	sbr.rel @p1 .LBB1_3-.Ltmp3, $4  }
0x36: {  	v0 =	vld [tilespmem:s18+$0x0];
	[tilespmem:s15+$0x0 ss:$0x81] =	vst.msk $0xffff, v1  }
0x37: {  	s15 =	sshra.s32 s19, $0x2;
	v1 =	vld [tilespmem:s18+$0xFFFFFFE0]  }
0x38: {  	s15 =	sadd.s32 s15, s16  }
0x39: {  	s18 =	sadd.s32 $0x40, s18;
	[tilespmem:s15+$0x1830 ss:$0x81] =	vst.msk $0xffff, v3  }
.Ltmp4:
0x3a: {  	_ = 	snop;
	(pc) =	sbr.rel .LBB1_4-.Ltmp4, $1  }
0x3b: {  	_ =	sdelay $0x3  }
.LBB1_6:
0x3c: {  	_ =	sfence.sel $0x180000  }
0x3d: {  	s2 =	simm.s32 $0x1;
	[bflag:$0x0] =	sbarrier.arrive $0xFFFF  }
0x3e: {  	s31 =	simm.s32 $0x2;
	[sflag:s2] =	ssyncpa.u1 $0x1  }
0x3f: {  	[sflag:s31] =	ssyncpa.u1 $0x1  }
0x40: {  	p0 =	sne.s32 s0, $0x0;
	_ =	strace $0x9000004A  }
0x41: {  	s0 =	sadd.s32 @!p0 $0x100000, s1;
	[bflag:$0x2] =	sbarrier.arrive $0xFFFF  }
0x42: {  	[sflag:s0] =	ssyncadd.tile.s32 @!p0 $0x1;
	_ =	shalt  }
.Lfunc_end1:
_tile_overlayer_lowered:
.L_overlay_start_2:
0x43: {  	(tag) =	ssettag $0x2  }
0x44: {  	s0 =	rddreg [dreg:$0x0];
	s2 =	stileid.u32  }
0x45: {  	s1 =	rddreg [dreg:$0x1];
	p0 =	sne.s32 s2, $0x0  }
0x46: {  	s3 =	rddreg [dreg:$0x2];
	[bflag:$0x3] =	sbarrier.arrive $0xFFFF;
	s2 =	simm.s32 @!p0 $0x1C01  }
0x47: {  	[timem:s3], [sflag:s2] =	dma.local @!p0 [hbm:s0], s1  }
0x48: {  	s0 =	simm.s32 @!p0 $0x1  }
0x49: {  	_ =	swait.ge @!p0 [sflag:s0], s1  }
0x4a: {  	s1 =	ssub.s32 @!p0 $0x0, s1;
	[sflag:s0] =	ssyncset.done @!p0 $0x0  }
0x4b: {  	[sflag:s0] =	ssyncadd.s32 @!p0 s1  }
0x4c: {  	[bflag:$0x3] =	sbarrier.arrive $0xFFFF  }
0x4d: {  	_ =	shalt  }

</sc_bundles>
